<compile_context>
chip_gen: v7x
topology: tpu7x:2x2x1
jax: 0.10.2.dev20260603
libtpu: 0.0.44.dev20260713+nightly
codegen_flags: <defaults>
</compile_context>

<pallas_src>
import jax
import jax.numpy as jnp
from jax import lax
from jax.experimental import pallas as pl
from jax.experimental.pallas import tpu as pltpu
from jax.experimental.pallas import tpu_sc as plsc

_NC = 2
_NS = 16
_NW = _NC * _NS
_L = 16
_CHUNK = 128


def _lfm_body(uidx_hbm, iidx_hbm, uf_hbm, if_hbm, ub_hbm, ib_hbm, gb_hbm,
              out_hbm,
              uidx_v, iidx_v, urows_v, irows_v, ubias_v, ibias_v, gb_v,
              out_v, sem):
    n_chunks = uidx_v.shape[0]
    b_per_w = n_chunks * _CHUNK
    d = urows_v.shape[1]
    wid = lax.axis_index("s") * _NC + lax.axis_index("c")

    pltpu.sync_copy(gb_hbm, gb_v)
    pltpu.sync_copy(uidx_hbm.at[wid], uidx_v)
    pltpu.sync_copy(iidx_hbm.at[wid], iidx_v)

    copies = []
    for j in range(n_chunks):
        rows_sl = pl.ds(j * _CHUNK, _CHUNK)
        copies.append(pltpu.async_copy(uf_hbm.at[uidx_v.at[j]],
                                       urows_v.at[rows_sl], sem))
        copies.append(pltpu.async_copy(if_hbm.at[iidx_v.at[j]],
                                       irows_v.at[rows_sl], sem))
        copies.append(pltpu.async_copy(ub_hbm.at[uidx_v.at[j]],
                                       ubias_v.at[rows_sl], sem))
        copies.append(pltpu.async_copy(ib_hbm.at[iidx_v.at[j]],
                                       ibias_v.at[rows_sl], sem))
    for c in copies:
        c.wait()

    gb = gb_v[...]
    lane = lax.iota(jnp.int32, _L)

    def chunk_body(i, carry):
        rows = i * _L + lane
        accs = [jnp.zeros((_L,), jnp.float32) for _ in range(4)]
        for k in range(d):
            colk = jnp.full((_L,), k, jnp.int32)
            u = plsc.load_gather(urows_v, [rows, colk])
            v = plsc.load_gather(irows_v, [rows, colk])
            accs[k % 4] = accs[k % 4] + u * v
        acc = (accs[0] + accs[1]) + (accs[2] + accs[3])
        ub = plsc.load_gather(ubias_v, [rows])
        ib = plsc.load_gather(ibias_v, [rows])
        plsc.store_scatter(out_v, [rows], acc + ub + ib + gb)
        return carry

    lax.fori_loop(0, b_per_w // _L, chunk_body, 0)
    pltpu.sync_copy(out_v, out_hbm.at[pl.ds(wid * b_per_w, b_per_w)])


def kernel(user_indices, item_indices, user_factors, item_factors,
           user_biases, item_biases, global_bias):
    batch = user_indices.shape[0]
    b_per_w = batch // _NW
    n_chunks = b_per_w // _CHUNK
    n_rows, d = user_factors.shape

    uidx3 = user_indices.reshape(_NW, n_chunks, _CHUNK).astype(jnp.int32)
    iidx3 = item_indices.reshape(_NW, n_chunks, _CHUNK).astype(jnp.int32)
    ub_flat = user_biases.reshape(n_rows)
    ib_flat = item_biases.reshape(n_rows)
    gb16 = jnp.broadcast_to(global_bias.astype(jnp.float32), (_L,))

    mesh = plsc.VectorSubcoreMesh(core_axis_name="c", subcore_axis_name="s")
    run = pl.kernel(
        _lfm_body,
        mesh=mesh,
        out_type=jax.ShapeDtypeStruct((batch,), jnp.float32),
        compiler_params=pltpu.CompilerParams(
            needs_layout_passes=False, use_tc_tiling_on_sc=False),
        scratch_types=[
            pltpu.VMEM((n_chunks, _CHUNK), jnp.int32),
            pltpu.VMEM((n_chunks, _CHUNK), jnp.int32),
            pltpu.VMEM((b_per_w, d), jnp.float32),
            pltpu.VMEM((b_per_w, d), jnp.float32),
            pltpu.VMEM((b_per_w,), jnp.float32),
            pltpu.VMEM((b_per_w,), jnp.float32),
            pltpu.VMEM((_L,), jnp.float32),
            pltpu.VMEM((b_per_w,), jnp.float32),
            pltpu.SemaphoreType.DMA,
        ],
    )
    return run(uidx3, iidx3, user_factors, item_factors,
               ub_flat, ib_flat, gb16)

# --- scband reference (transcript-rebuilt; emitter-appended) ---
"""Pipeline reference for scband-lfm-12816182411872 (READ-ONLY COPY).

The authoritative reference and input builder live on the scoring server;
editing this copy changes nothing except your own understanding.
"""

import jax, jax.numpy as jnp
import numpy as np

NUM_USERS = 1000000
NUM_ITEMS = 1000000
NUM_FACTORS = 32
BATCH = 16384

def setup_inputs(seed: int = 0) -> dict:
    key = jax.random.key(seed)
    k1, k2, k3, k4 = jax.random.split(key, 4)
    user_indices = jax.random.randint(k1, (BATCH,), 0, NUM_USERS, dtype=jnp.int64 if jax.config.jax_enable_x64 else jnp.int32)
    item_indices = jax.random.randint(k2, (BATCH,), 0, NUM_ITEMS, dtype=jnp.int64 if jax.config.jax_enable_x64 else jnp.int32)
    user_factors = jax.random.normal(k3, (NUM_USERS, NUM_FACTORS), dtype=jnp.float32) * 0.01
    item_factors = jax.random.normal(k4, (NUM_ITEMS, NUM_FACTORS), dtype=jnp.float32) * 0.01
    user_biases = jnp.zeros((NUM_USERS, 1), dtype=jnp.float32)
    item_biases = jnp.zeros((NUM_ITEMS, 1), dtype=jnp.float32)
    global_bias = jnp.zeros((1,), dtype=jnp.float32)
    return {
        "user_indices": user_indices,
        "item_indices": item_indices,
        "user_factors": user_factors,
        "item_factors": item_factors,
        "user_biases": user_biases,
        "item_biases": item_biases,
        "global_bias": global_bias,
    }

def reference(user_indices, item_indices, user_factors, item_factors, user_biases, item_biases, global_bias):
    user_vecs = jnp.take(user_factors, user_indices, axis=0)
    item_vecs = jnp.take(item_factors, item_indices, axis=0)
    user_b = jnp.take(user_biases, user_indices, axis=0).squeeze()
    item_b = jnp.take(item_biases, item_indices, axis=0).squeeze()
    dot_product = (user_vecs * item_vecs).sum(axis=1)
    return global_bias + user_b + item_b + dot_product

if __name__ == "__main__":
    import jax
    _d = setup_inputs()
    print(jax.jit(kernel)(*tuple(_d.values())))

</pallas_src>

<mosaic_0001>
#map = affine_map<(d0, d1) -> (0, 0, 0)>
#map1 = affine_map<(d0, d1) -> (0, 0)>
#map2 = affine_map<(d0, d1) -> (0)>
module attributes {stable_mosaic.version = 14 : i64} {
  func.func @_lfm_body(%arg0: i32, %arg1: i32, %arg2: memref<32x4x128xi32, #tpu.memory_space<hbm>>, %arg3: memref<32x4x128xi32, #tpu.memory_space<hbm>>, %arg4: memref<1000000x32xf32, #tpu.memory_space<hbm>>, %arg5: memref<1000000x32xf32, #tpu.memory_space<hbm>>, %arg6: memref<1000000xf32, #tpu.memory_space<hbm>>, %arg7: memref<1000000xf32, #tpu.memory_space<hbm>>, %arg8: memref<16xf32, #tpu.memory_space<hbm>>, %arg9: memref<16384xf32, #tpu.memory_space<hbm>>, %arg10: memref<4x128xi32, #tpu.memory_space<vmem>>, %arg11: memref<4x128xi32, #tpu.memory_space<vmem>>, %arg12: memref<512x32xf32, #tpu.memory_space<vmem>>, %arg13: memref<512x32xf32, #tpu.memory_space<vmem>>, %arg14: memref<512xf32, #tpu.memory_space<vmem>>, %arg15: memref<512xf32, #tpu.memory_space<vmem>>, %arg16: memref<16xf32, #tpu.memory_space<vmem>>, %arg17: memref<512xf32, #tpu.memory_space<vmem>>, %arg18: memref<!tpu.dma_semaphore, #tpu.memory_space<semaphore_mem>>) attributes {dimension_semantics = [#tpu.dimension_semantics<core_parallel>, #tpu.dimension_semantics<subcore_parallel>], iteration_bounds = array<i64: 2, 16>, scalar_prefetch = 0 : i64, scratch_operands = 9 : i64, tpu.core_type = #tpu.core_type<sc_vector_subcore>, window_params = [{transform_indices = #map}, {transform_indices = #map}, {transform_indices = #map1}, {transform_indices = #map1}, {transform_indices = #map2}, {transform_indices = #map2}, {transform_indices = #map2}, {transform_indices = #map2}]} {
    %mul3A = arith.constant 2 : i32
    %mul3A_0 = arith.muli %arg1, %mul3A : i32
    %add3A = arith.addi %mul3A_0, %arg0 : i32
    "tpu.region"() ({
      %run_scoped3A = tpu.sem_alloc : memref<!tpu.dma_semaphore, #tpu.memory_space<semaphore_mem>>
      tpu.enqueue_dma source(%arg8 : memref<16xf32, #tpu.memory_space<hbm>>) target(%arg16 : memref<16xf32, #tpu.memory_space<vmem>>) target_semaphore(%run_scoped3A : memref<!tpu.dma_semaphore, #tpu.memory_space<semaphore_mem>>)
      tpu.wait_dma2 semaphore(%run_scoped3A : memref<!tpu.dma_semaphore, #tpu.memory_space<semaphore_mem>>) src(%arg8 : memref<16xf32, #tpu.memory_space<hbm>>) dst(%arg16 : memref<16xf32, #tpu.memory_space<vmem>>)
      tpu.yield
    }) : () -> ()
    "tpu.region"() ({
      %run_scoped3A = tpu.sem_alloc : memref<!tpu.dma_semaphore, #tpu.memory_space<semaphore_mem>>
      %dma_start3A_295 = arith.constant 0 : i32
      %dma_start3A_296 = arith.constant 0 : i32
      %dma_start3A_297 = tpu.memref_slice %arg2[%add3A, %dma_start3A_295, %dma_start3A_296] : memref<32x4x128xi32, #tpu.memory_space<hbm>> -> memref<1x4x128xi32, #tpu.memory_space<hbm>>
      %dma_start3A_298 = tpu.memref_squeeze %dma_start3A_297 : memref<1x4x128xi32, #tpu.memory_space<hbm>> -> memref<4x128xi32, #tpu.memory_space<hbm>>
      %dma_start3A_299 = arith.constant 0 : i32
      %dma_start3A_300 = arith.constant 0 : i32
      %dma_start3A_301 = tpu.memref_slice %arg2[%add3A, %dma_start3A_299, %dma_start3A_300] : memref<32x4x128xi32, #tpu.memory_space<hbm>> -> memref<1x4x128xi32, #tpu.memory_space<hbm>>
      %dma_start3A_302 = tpu.memref_squeeze %dma_start3A_301 : memref<1x4x128xi32, #tpu.memory_space<hbm>> -> memref<4x128xi32, #tpu.memory_space<hbm>>
      tpu.enqueue_dma source(%dma_start3A_302 : memref<4x128xi32, #tpu.memory_space<hbm>>) target(%arg10 : memref<4x128xi32, #tpu.memory_space<vmem>>) target_semaphore(%run_scoped3A : memref<!tpu.dma_semaphore, #tpu.memory_space<semaphore_mem>>)
      %dma_wait3A_303 = arith.constant 0 : i32
      %dma_wait3A_304 = arith.constant 0 : i32
      %dma_wait3A_305 = tpu.memref_slice %arg2[%add3A, %dma_wait3A_303, %dma_wait3A_304] : memref<32x4x128xi32, #tpu.memory_space<hbm>> -> memref<1x4x128xi32, #tpu.memory_space<hbm>>
      %dma_wait3A_306 = tpu.memref_squeeze %dma_wait3A_305 : memref<1x4x128xi32, #tpu.memory_space<hbm>> -> memref<4x128xi32, #tpu.memory_space<hbm>>
      %dma_wait3A_307 = arith.constant 0 : i32
      %dma_wait3A_308 = arith.constant 0 : i32
      %dma_wait3A_309 = tpu.memref_slice %arg2[%add3A, %dma_wait3A_307, %dma_wait3A_308] : memref<32x4x128xi32, #tpu.memory_space<hbm>> -> memref<1x4x128xi32, #tpu.memory_space<hbm>>
      %dma_wait3A_310 = tpu.memref_squeeze %dma_wait3A_309 : memref<1x4x128xi32, #tpu.memory_space<hbm>> -> memref<4x128xi32, #tpu.memory_space<hbm>>
      tpu.wait_dma2 semaphore(%run_scoped3A : memref<!tpu.dma_semaphore, #tpu.memory_space<semaphore_mem>>) src(%dma_wait3A_310 : memref<4x128xi32, #tpu.memory_space<hbm>>) dst(%arg10 : memref<4x128xi32, #tpu.memory_space<vmem>>)
      tpu.yield
    }) : () -> ()
    "tpu.region"() ({
      %run_scoped3A = tpu.sem_alloc : memref<!tpu.dma_semaphore, #tpu.memory_space<semaphore_mem>>
      %dma_start3A_295 = arith.constant 0 : i32
      %dma_start3A_296 = arith.constant 0 : i32
      %dma_start3A_297 = tpu.memref_slice %arg3[%add3A, %dma_start3A_295, %dma_start3A_296] : memref<32x4x128xi32, #tpu.memory_space<hbm>> -> memref<1x4x128xi32, #tpu.memory_space<hbm>>
      %dma_start3A_298 = tpu.memref_squeeze %dma_start3A_297 : memref<1x4x128xi32, #tpu.memory_space<hbm>> -> memref<4x128xi32, #tpu.memory_space<hbm>>
      %dma_start3A_299 = arith.constant 0 : i32
      %dma_start3A_300 = arith.constant 0 : i32
      %dma_start3A_301 = tpu.memref_slice %arg3[%add3A, %dma_start3A_299, %dma_start3A_300] : memref<32x4x128xi32, #tpu.memory_space<hbm>> -> memref<1x4x128xi32, #tpu.memory_space<hbm>>
      %dma_start3A_302 = tpu.memref_squeeze %dma_start3A_301 : memref<1x4x128xi32, #tpu.memory_space<hbm>> -> memref<4x128xi32, #tpu.memory_space<hbm>>
      tpu.enqueue_dma source(%dma_start3A_302 : memref<4x128xi32, #tpu.memory_space<hbm>>) target(%arg11 : memref<4x128xi32, #tpu.memory_space<vmem>>) target_semaphore(%run_scoped3A : memref<!tpu.dma_semaphore, #tpu.memory_space<semaphore_mem>>)
      %dma_wait3A_303 = arith.constant 0 : i32
      %dma_wait3A_304 = arith.constant 0 : i32
      %dma_wait3A_305 = tpu.memref_slice %arg3[%add3A, %dma_wait3A_303, %dma_wait3A_304] : memref<32x4x128xi32, #tpu.memory_space<hbm>> -> memref<1x4x128xi32, #tpu.memory_space<hbm>>
      %dma_wait3A_306 = tpu.memref_squeeze %dma_wait3A_305 : memref<1x4x128xi32, #tpu.memory_space<hbm>> -> memref<4x128xi32, #tpu.memory_space<hbm>>
      %dma_wait3A_307 = arith.constant 0 : i32
      %dma_wait3A_308 = arith.constant 0 : i32
      %dma_wait3A_309 = tpu.memref_slice %arg3[%add3A, %dma_wait3A_307, %dma_wait3A_308] : memref<32x4x128xi32, #tpu.memory_space<hbm>> -> memref<1x4x128xi32, #tpu.memory_space<hbm>>
      %dma_wait3A_310 = tpu.memref_squeeze %dma_wait3A_309 : memref<1x4x128xi32, #tpu.memory_space<hbm>> -> memref<4x128xi32, #tpu.memory_space<hbm>>
      tpu.wait_dma2 semaphore(%run_scoped3A : memref<!tpu.dma_semaphore, #tpu.memory_space<semaphore_mem>>) src(%dma_wait3A_310 : memref<4x128xi32, #tpu.memory_space<hbm>>) dst(%arg11 : memref<4x128xi32, #tpu.memory_space<vmem>>)
      tpu.yield
    }) : () -> ()
    %dma_start3A = arith.constant 0 : i32
    %dma_start3A_1 = arith.constant 0 : i32
    %dma_start3A_2 = arith.constant 0 : i32
    %dma_start3A_3 = tpu.memref_slice %arg12[%dma_start3A_1, %dma_start3A_2] : memref<512x32xf32, #tpu.memory_space<vmem>> -> memref<128x32xf32, #tpu.memory_space<vmem>>
    %dma_start3A_4 = arith.constant 0 : i32
    %dma_start3A_5 = tpu.memref_slice %arg10[%dma_start3A, %dma_start3A_4] : memref<4x128xi32, #tpu.memory_space<vmem>> -> memref<1x128xi32, #tpu.memory_space<vmem>>
    %dma_start3A_6 = tpu.memref_squeeze %dma_start3A_5 : memref<1x128xi32, #tpu.memory_space<vmem>> -> memref<128xi32, #tpu.memory_space<vmem>>
    %dma_start3A_7 = arith.constant 0 : i32
    %dma_start3A_8 = arith.constant 0 : i32
    %dma_start3A_9 = tpu.memref_slice %arg4[%dma_start3A_7, %dma_start3A_8] : memref<1000000x32xf32, #tpu.memory_space<hbm>> -> memref<1000000x32xf32, #tpu.memory_space<hbm>>
    tpu.enqueue_indirect_dma source(%dma_start3A_9 : memref<1000000x32xf32, #tpu.memory_space<hbm>>) target(%dma_start3A_3 : memref<128x32xf32, #tpu.memory_space<vmem>>) offsets(%dma_start3A_6 : memref<128xi32, #tpu.memory_space<vmem>>) semaphore(%arg18 : memref<!tpu.dma_semaphore, #tpu.memory_space<semaphore_mem>>)
    %dma_start3A_10 = arith.constant 0 : i32
    %dma_start3A_11 = arith.constant 0 : i32
    %dma_start3A_12 = arith.constant 0 : i32
    %dma_start3A_13 = tpu.memref_slice %arg13[%dma_start3A_11, %dma_start3A_12] : memref<512x32xf32, #tpu.memory_space<vmem>> -> memref<128x32xf32, #tpu.memory_space<vmem>>
    %dma_start3A_14 = arith.constant 0 : i32
    %dma_start3A_15 = tpu.memref_slice %arg11[%dma_start3A_10, %dma_start3A_14] : memref<4x128xi32, #tpu.memory_space<vmem>> -> memref<1x128xi32, #tpu.memory_space<vmem>>
    %dma_start3A_16 = tpu.memref_squeeze %dma_start3A_15 : memref<1x128xi32, #tpu.memory_space<vmem>> -> memref<128xi32, #tpu.memory_space<vmem>>
    %dma_start3A_17 = arith.constant 0 : i32
    %dma_start3A_18 = arith.constant 0 : i32
    %dma_start3A_19 = tpu.memref_slice %arg5[%dma_start3A_17, %dma_start3A_18] : memref<1000000x32xf32, #tpu.memory_space<hbm>> -> memref<1000000x32xf32, #tpu.memory_space<hbm>>
    tpu.enqueue_indirect_dma source(%dma_start3A_19 : memref<1000000x32xf32, #tpu.memory_space<hbm>>) target(%dma_start3A_13 : memref<128x32xf32, #tpu.memory_space<vmem>>) offsets(%dma_start3A_16 : memref<128xi32, #tpu.memory_space<vmem>>) semaphore(%arg18 : memref<!tpu.dma_semaphore, #tpu.memory_space<semaphore_mem>>)
    %dma_start3A_20 = arith.constant 0 : i32
    %dma_start3A_21 = arith.constant 0 : i32
    %dma_start3A_22 = tpu.memref_slice %arg14[%dma_start3A_21] : memref<512xf32, #tpu.memory_space<vmem>> -> memref<128xf32, #tpu.memory_space<vmem>>
    %dma_start3A_23 = arith.constant 0 : i32
    %dma_start3A_24 = tpu.memref_slice %arg10[%dma_start3A_20, %dma_start3A_23] : memref<4x128xi32, #tpu.memory_space<vmem>> -> memref<1x128xi32, #tpu.memory_space<vmem>>
    %dma_start3A_25 = tpu.memref_squeeze %dma_start3A_24 : memref<1x128xi32, #tpu.memory_space<vmem>> -> memref<128xi32, #tpu.memory_space<vmem>>
    %dma_start3A_26 = arith.constant 0 : i32
    %dma_start3A_27 = tpu.memref_slice %arg6[%dma_start3A_26] : memref<1000000xf32, #tpu.memory_space<hbm>> -> memref<1000000xf32, #tpu.memory_space<hbm>>
    tpu.enqueue_indirect_dma source(%dma_start3A_27 : memref<1000000xf32, #tpu.memory_space<hbm>>) target(%dma_start3A_22 : memref<128xf32, #tpu.memory_space<vmem>>) offsets(%dma_start3A_25 : memref<128xi32, #tpu.memory_space<vmem>>) semaphore(%arg18 : memref<!tpu.dma_semaphore, #tpu.memory_space<semaphore_mem>>)
    %dma_start3A_28 = arith.constant 0 : i32
    %dma_start3A_29 = arith.constant 0 : i32
    %dma_start3A_30 = tpu.memref_slice %arg15[%dma_start3A_29] : memref<512xf32, #tpu.memory_space<vmem>> -> memref<128xf32, #tpu.memory_space<vmem>>
    %dma_start3A_31 = arith.constant 0 : i32
    %dma_start3A_32 = tpu.memref_slice %arg11[%dma_start3A_28, %dma_start3A_31] : memref<4x128xi32, #tpu.memory_space<vmem>> -> memref<1x128xi32, #tpu.memory_space<vmem>>
    %dma_start3A_33 = tpu.memref_squeeze %dma_start3A_32 : memref<1x128xi32, #tpu.memory_space<vmem>> -> memref<128xi32, #tpu.memory_space<vmem>>
    %dma_start3A_34 = arith.constant 0 : i32
    %dma_start3A_35 = tpu.memref_slice %arg7[%dma_start3A_34] : memref<1000000xf32, #tpu.memory_space<hbm>> -> memref<1000000xf32, #tpu.memory_space<hbm>>
    tpu.enqueue_indirect_dma source(%dma_start3A_35 : memref<1000000xf32, #tpu.memory_space<hbm>>) target(%dma_start3A_30 : memref<128xf32, #tpu.memory_space<vmem>>) offsets(%dma_start3A_33 : memref<128xi32, #tpu.memory_space<vmem>>) semaphore(%arg18 : memref<!tpu.dma_semaphore, #tpu.memory_space<semaphore_mem>>)
    %dma_start3A_36 = arith.constant 1 : i32
    %dma_start3A_37 = arith.constant 128 : i32
    %dma_start3A_38 = arith.constant 0 : i32
    %dma_start3A_39 = tpu.memref_slice %arg12[%dma_start3A_37, %dma_start3A_38] : memref<512x32xf32, #tpu.memory_space<vmem>> -> memref<128x32xf32, #tpu.memory_space<vmem>>
    %dma_start3A_40 = arith.constant 0 : i32
    %dma_start3A_41 = tpu.memref_slice %arg10[%dma_start3A_36, %dma_start3A_40] : memref<4x128xi32, #tpu.memory_space<vmem>> -> memref<1x128xi32, #tpu.memory_space<vmem>>
    %dma_start3A_42 = tpu.memref_squeeze %dma_start3A_41 : memref<1x128xi32, #tpu.memory_space<vmem>> -> memref<128xi32, #tpu.memory_space<vmem>>
    %dma_start3A_43 = arith.constant 0 : i32
    %dma_start3A_44 = arith.constant 0 : i32
    %dma_start3A_45 = tpu.memref_slice %arg4[%dma_start3A_43, %dma_start3A_44] : memref<1000000x32xf32, #tpu.memory_space<hbm>> -> memref<1000000x32xf32, #tpu.memory_space<hbm>>
    tpu.enqueue_indirect_dma source(%dma_start3A_45 : memref<1000000x32xf32, #tpu.memory_space<hbm>>) target(%dma_start3A_39 : memref<128x32xf32, #tpu.memory_space<vmem>>) offsets(%dma_start3A_42 : memref<128xi32, #tpu.memory_space<vmem>>) semaphore(%arg18 : memref<!tpu.dma_semaphore, #tpu.memory_space<semaphore_mem>>)
    %dma_start3A_46 = arith.constant 1 : i32
    %dma_start3A_47 = arith.constant 128 : i32
    %dma_start3A_48 = arith.constant 0 : i32
    %dma_start3A_49 = tpu.memref_slice %arg13[%dma_start3A_47, %dma_start3A_48] : memref<512x32xf32, #tpu.memory_space<vmem>> -> memref<128x32xf32, #tpu.memory_space<vmem>>
    %dma_start3A_50 = arith.constant 0 : i32
    %dma_start3A_51 = tpu.memref_slice %arg11[%dma_start3A_46, %dma_start3A_50] : memref<4x128xi32, #tpu.memory_space<vmem>> -> memref<1x128xi32, #tpu.memory_space<vmem>>
    %dma_start3A_52 = tpu.memref_squeeze %dma_start3A_51 : memref<1x128xi32, #tpu.memory_space<vmem>> -> memref<128xi32, #tpu.memory_space<vmem>>
    %dma_start3A_53 = arith.constant 0 : i32
    %dma_start3A_54 = arith.constant 0 : i32
    %dma_start3A_55 = tpu.memref_slice %arg5[%dma_start3A_53, %dma_start3A_54] : memref<1000000x32xf32, #tpu.memory_space<hbm>> -> memref<1000000x32xf32, #tpu.memory_space<hbm>>
    tpu.enqueue_indirect_dma source(%dma_start3A_55 : memref<1000000x32xf32, #tpu.memory_space<hbm>>) target(%dma_start3A_49 : memref<128x32xf32, #tpu.memory_space<vmem>>) offsets(%dma_start3A_52 : memref<128xi32, #tpu.memory_space<vmem>>) semaphore(%arg18 : memref<!tpu.dma_semaphore, #tpu.memory_space<semaphore_mem>>)
    %dma_start3A_56 = arith.constant 1 : i32
    %dma_start3A_57 = arith.constant 128 : i32
    %dma_start3A_58 = tpu.memref_slice %arg14[%dma_start3A_57] : memref<512xf32, #tpu.memory_space<vmem>> -> memref<128xf32, #tpu.memory_space<vmem>>
    %dma_start3A_59 = arith.constant 0 : i32
    %dma_start3A_60 = tpu.memref_slice %arg10[%dma_start3A_56, %dma_start3A_59] : memref<4x128xi32, #tpu.memory_space<vmem>> -> memref<1x128xi32, #tpu.memory_space<vmem>>
    %dma_start3A_61 = tpu.memref_squeeze %dma_start3A_60 : memref<1x128xi32, #tpu.memory_space<vmem>> -> memref<128xi32, #tpu.memory_space<vmem>>
    %dma_start3A_62 = arith.constant 0 : i32
    %dma_start3A_63 = tpu.memref_slice %arg6[%dma_start3A_62] : memref<1000000xf32, #tpu.memory_space<hbm>> -> memref<1000000xf32, #tpu.memory_space<hbm>>
    tpu.enqueue_indirect_dma source(%dma_start3A_63 : memref<1000000xf32, #tpu.memory_space<hbm>>) target(%dma_start3A_58 : memref<128xf32, #tpu.memory_space<vmem>>) offsets(%dma_start3A_61 : memref<128xi32, #tpu.memory_space<vmem>>) semaphore(%arg18 : memref<!tpu.dma_semaphore, #tpu.memory_space<semaphore_mem>>)
    %dma_start3A_64 = arith.constant 1 : i32
    %dma_start3A_65 = arith.constant 128 : i32
    %dma_start3A_66 = tpu.memref_slice %arg15[%dma_start3A_65] : memref<512xf32, #tpu.memory_space<vmem>> -> memref<128xf32, #tpu.memory_space<vmem>>
    %dma_start3A_67 = arith.constant 0 : i32
    %dma_start3A_68 = tpu.memref_slice %arg11[%dma_start3A_64, %dma_start3A_67] : memref<4x128xi32, #tpu.memory_space<vmem>> -> memref<1x128xi32, #tpu.memory_space<vmem>>
    %dma_start3A_69 = tpu.memref_squeeze %dma_start3A_68 : memref<1x128xi32, #tpu.memory_space<vmem>> -> memref<128xi32, #tpu.memory_space<vmem>>
    %dma_start3A_70 = arith.constant 0 : i32
    %dma_start3A_71 = tpu.memref_slice %arg7[%dma_start3A_70] : memref<1000000xf32, #tpu.memory_space<hbm>> -> memref<1000000xf32, #tpu.memory_space<hbm>>
    tpu.enqueue_indirect_dma source(%dma_start3A_71 : memref<1000000xf32, #tpu.memory_space<hbm>>) target(%dma_start3A_66 : memref<128xf32, #tpu.memory_space<vmem>>) offsets(%dma_start3A_69 : memref<128xi32, #tpu.memory_space<vmem>>) semaphore(%arg18 : memref<!tpu.dma_semaphore, #tpu.memory_space<semaphore_mem>>)
    %dma_start3A_72 = arith.constant 2 : i32
    %dma_start3A_73 = arith.constant 256 : i32
    %dma_start3A_74 = arith.constant 0 : i32
    %dma_start3A_75 = tpu.memref_slice %arg12[%dma_start3A_73, %dma_start3A_74] : memref<512x32xf32, #tpu.memory_space<vmem>> -> memref<128x32xf32, #tpu.memory_space<vmem>>
    %dma_start3A_76 = arith.constant 0 : i32
    %dma_start3A_77 = tpu.memref_slice %arg10[%dma_start3A_72, %dma_start3A_76] : memref<4x128xi32, #tpu.memory_space<vmem>> -> memref<1x128xi32, #tpu.memory_space<vmem>>
    %dma_start3A_78 = tpu.memref_squeeze %dma_start3A_77 : memref<1x128xi32, #tpu.memory_space<vmem>> -> memref<128xi32, #tpu.memory_space<vmem>>
    %dma_start3A_79 = arith.constant 0 : i32
    %dma_start3A_80 = arith.constant 0 : i32
    %dma_start3A_81 = tpu.memref_slice %arg4[%dma_start3A_79, %dma_start3A_80] : memref<1000000x32xf32, #tpu.memory_space<hbm>> -> memref<1000000x32xf32, #tpu.memory_space<hbm>>
    tpu.enqueue_indirect_dma source(%dma_start3A_81 : memref<1000000x32xf32, #tpu.memory_space<hbm>>) target(%dma_start3A_75 : memref<128x32xf32, #tpu.memory_space<vmem>>) offsets(%dma_start3A_78 : memref<128xi32, #tpu.memory_space<vmem>>) semaphore(%arg18 : memref<!tpu.dma_semaphore, #tpu.memory_space<semaphore_mem>>)
    %dma_start3A_82 = arith.constant 2 : i32
    %dma_start3A_83 = arith.constant 256 : i32
    %dma_start3A_84 = arith.constant 0 : i32
    %dma_start3A_85 = tpu.memref_slice %arg13[%dma_start3A_83, %dma_start3A_84] : memref<512x32xf32, #tpu.memory_space<vmem>> -> memref<128x32xf32, #tpu.memory_space<vmem>>
    %dma_start3A_86 = arith.constant 0 : i32
    %dma_start3A_87 = tpu.memref_slice %arg11[%dma_start3A_82, %dma_start3A_86] : memref<4x128xi32, #tpu.memory_space<vmem>> -> memref<1x128xi32, #tpu.memory_space<vmem>>
    %dma_start3A_88 = tpu.memref_squeeze %dma_start3A_87 : memref<1x128xi32, #tpu.memory_space<vmem>> -> memref<128xi32, #tpu.memory_space<vmem>>
    %dma_start3A_89 = arith.constant 0 : i32
    %dma_start3A_90 = arith.constant 0 : i32
    %dma_start3A_91 = tpu.memref_slice %arg5[%dma_start3A_89, %dma_start3A_90] : memref<1000000x32xf32, #tpu.memory_space<hbm>> -> memref<1000000x32xf32, #tpu.memory_space<hbm>>
    tpu.enqueue_indirect_dma source(%dma_start3A_91 : memref<1000000x32xf32, #tpu.memory_space<hbm>>) target(%dma_start3A_85 : memref<128x32xf32, #tpu.memory_space<vmem>>) offsets(%dma_start3A_88 : memref<128xi32, #tpu.memory_space<vmem>>) semaphore(%arg18 : memref<!tpu.dma_semaphore, #tpu.memory_space<semaphore_mem>>)
    %dma_start3A_92 = arith.constant 2 : i32
    %dma_start3A_93 = arith.constant 256 : i32
    %dma_start3A_94 = tpu.memref_slice %arg14[%dma_start3A_93] : memref<512xf32, #tpu.memory_space<vmem>> -> memref<128xf32, #tpu.memory_space<vmem>>
    %dma_start3A_95 = arith.constant 0 : i32
    %dma_start3A_96 = tpu.memref_slice %arg10[%dma_start3A_92, %dma_start3A_95] : memref<4x128xi32, #tpu.memory_space<vmem>> -> memref<1x128xi32, #tpu.memory_space<vmem>>
    %dma_start3A_97 = tpu.memref_squeeze %dma_start3A_96 : memref<1x128xi32, #tpu.memory_space<vmem>> -> memref<128xi32, #tpu.memory_space<vmem>>
    %dma_start3A_98 = arith.constant 0 : i32
    %dma_start3A_99 = tpu.memref_slice %arg6[%dma_start3A_98] : memref<1000000xf32, #tpu.memory_space<hbm>> -> memref<1000000xf32, #tpu.memory_space<hbm>>
    tpu.enqueue_indirect_dma source(%dma_start3A_99 : memref<1000000xf32, #tpu.memory_space<hbm>>) target(%dma_start3A_94 : memref<128xf32, #tpu.memory_space<vmem>>) offsets(%dma_start3A_97 : memref<128xi32, #tpu.memory_space<vmem>>) semaphore(%arg18 : memref<!tpu.dma_semaphore, #tpu.memory_space<semaphore_mem>>)
    %dma_start3A_100 = arith.constant 2 : i32
    %dma_start3A_101 = arith.constant 256 : i32
    %dma_start3A_102 = tpu.memref_slice %arg15[%dma_start3A_101] : memref<512xf32, #tpu.memory_space<vmem>> -> memref<128xf32, #tpu.memory_space<vmem>>
    %dma_start3A_103 = arith.constant 0 : i32
    %dma_start3A_104 = tpu.memref_slice %arg11[%dma_start3A_100, %dma_start3A_103] : memref<4x128xi32, #tpu.memory_space<vmem>> -> memref<1x128xi32, #tpu.memory_space<vmem>>
    %dma_start3A_105 = tpu.memref_squeeze %dma_start3A_104 : memref<1x128xi32, #tpu.memory_space<vmem>> -> memref<128xi32, #tpu.memory_space<vmem>>
    %dma_start3A_106 = arith.constant 0 : i32
    %dma_start3A_107 = tpu.memref_slice %arg7[%dma_start3A_106] : memref<1000000xf32, #tpu.memory_space<hbm>> -> memref<1000000xf32, #tpu.memory_space<hbm>>
    tpu.enqueue_indirect_dma source(%dma_start3A_107 : memref<1000000xf32, #tpu.memory_space<hbm>>) target(%dma_start3A_102 : memref<128xf32, #tpu.memory_space<vmem>>) offsets(%dma_start3A_105 : memref<128xi32, #tpu.memory_space<vmem>>) semaphore(%arg18 : memref<!tpu.dma_semaphore, #tpu.memory_space<semaphore_mem>>)
    %dma_start3A_108 = arith.constant 3 : i32
    %dma_start3A_109 = arith.constant 384 : i32
    %dma_start3A_110 = arith.constant 0 : i32
    %dma_start3A_111 = tpu.memref_slice %arg12[%dma_start3A_109, %dma_start3A_110] : memref<512x32xf32, #tpu.memory_space<vmem>> -> memref<128x32xf32, #tpu.memory_space<vmem>>
    %dma_start3A_112 = arith.constant 0 : i32
    %dma_start3A_113 = tpu.memref_slice %arg10[%dma_start3A_108, %dma_start3A_112] : memref<4x128xi32, #tpu.memory_space<vmem>> -> memref<1x128xi32, #tpu.memory_space<vmem>>
    %dma_start3A_114 = tpu.memref_squeeze %dma_start3A_113 : memref<1x128xi32, #tpu.memory_space<vmem>> -> memref<128xi32, #tpu.memory_space<vmem>>
    %dma_start3A_115 = arith.constant 0 : i32
    %dma_start3A_116 = arith.constant 0 : i32
    %dma_start3A_117 = tpu.memref_slice %arg4[%dma_start3A_115, %dma_start3A_116] : memref<1000000x32xf32, #tpu.memory_space<hbm>> -> memref<1000000x32xf32, #tpu.memory_space<hbm>>
    tpu.enqueue_indirect_dma source(%dma_start3A_117 : memref<1000000x32xf32, #tpu.memory_space<hbm>>) target(%dma_start3A_111 : memref<128x32xf32, #tpu.memory_space<vmem>>) offsets(%dma_start3A_114 : memref<128xi32, #tpu.memory_space<vmem>>) semaphore(%arg18 : memref<!tpu.dma_semaphore, #tpu.memory_space<semaphore_mem>>)
    %dma_start3A_118 = arith.constant 3 : i32
    %dma_start3A_119 = arith.constant 384 : i32
    %dma_start3A_120 = arith.constant 0 : i32
    %dma_start3A_121 = tpu.memref_slice %arg13[%dma_start3A_119, %dma_start3A_120] : memref<512x32xf32, #tpu.memory_space<vmem>> -> memref<128x32xf32, #tpu.memory_space<vmem>>
    %dma_start3A_122 = arith.constant 0 : i32
    %dma_start3A_123 = tpu.memref_slice %arg11[%dma_start3A_118, %dma_start3A_122] : memref<4x128xi32, #tpu.memory_space<vmem>> -> memref<1x128xi32, #tpu.memory_space<vmem>>
    %dma_start3A_124 = tpu.memref_squeeze %dma_start3A_123 : memref<1x128xi32, #tpu.memory_space<vmem>> -> memref<128xi32, #tpu.memory_space<vmem>>
    %dma_start3A_125 = arith.constant 0 : i32
    %dma_start3A_126 = arith.constant 0 : i32
    %dma_start3A_127 = tpu.memref_slice %arg5[%dma_start3A_125, %dma_start3A_126] : memref<1000000x32xf32, #tpu.memory_space<hbm>> -> memref<1000000x32xf32, #tpu.memory_space<hbm>>
    tpu.enqueue_indirect_dma source(%dma_start3A_127 : memref<1000000x32xf32, #tpu.memory_space<hbm>>) target(%dma_start3A_121 : memref<128x32xf32, #tpu.memory_space<vmem>>) offsets(%dma_start3A_124 : memref<128xi32, #tpu.memory_space<vmem>>) semaphore(%arg18 : memref<!tpu.dma_semaphore, #tpu.memory_space<semaphore_mem>>)
    %dma_start3A_128 = arith.constant 3 : i32
    %dma_start3A_129 = arith.constant 384 : i32
    %dma_start3A_130 = tpu.memref_slice %arg14[%dma_start3A_129] : memref<512xf32, #tpu.memory_space<vmem>> -> memref<128xf32, #tpu.memory_space<vmem>>
    %dma_start3A_131 = arith.constant 0 : i32
    %dma_start3A_132 = tpu.memref_slice %arg10[%dma_start3A_128, %dma_start3A_131] : memref<4x128xi32, #tpu.memory_space<vmem>> -> memref<1x128xi32, #tpu.memory_space<vmem>>
    %dma_start3A_133 = tpu.memref_squeeze %dma_start3A_132 : memref<1x128xi32, #tpu.memory_space<vmem>> -> memref<128xi32, #tpu.memory_space<vmem>>
    %dma_start3A_134 = arith.constant 0 : i32
    %dma_start3A_135 = tpu.memref_slice %arg6[%dma_start3A_134] : memref<1000000xf32, #tpu.memory_space<hbm>> -> memref<1000000xf32, #tpu.memory_space<hbm>>
    tpu.enqueue_indirect_dma source(%dma_start3A_135 : memref<1000000xf32, #tpu.memory_space<hbm>>) target(%dma_start3A_130 : memref<128xf32, #tpu.memory_space<vmem>>) offsets(%dma_start3A_133 : memref<128xi32, #tpu.memory_space<vmem>>) semaphore(%arg18 : memref<!tpu.dma_semaphore, #tpu.memory_space<semaphore_mem>>)
    %dma_start3A_136 = arith.constant 3 : i32
    %dma_start3A_137 = arith.constant 384 : i32
    %dma_start3A_138 = tpu.memref_slice %arg15[%dma_start3A_137] : memref<512xf32, #tpu.memory_space<vmem>> -> memref<128xf32, #tpu.memory_space<vmem>>
    %dma_start3A_139 = arith.constant 0 : i32
    %dma_start3A_140 = tpu.memref_slice %arg11[%dma_start3A_136, %dma_start3A_139] : memref<4x128xi32, #tpu.memory_space<vmem>> -> memref<1x128xi32, #tpu.memory_space<vmem>>
    %dma_start3A_141 = tpu.memref_squeeze %dma_start3A_140 : memref<1x128xi32, #tpu.memory_space<vmem>> -> memref<128xi32, #tpu.memory_space<vmem>>
    %dma_start3A_142 = arith.constant 0 : i32
    %dma_start3A_143 = tpu.memref_slice %arg7[%dma_start3A_142] : memref<1000000xf32, #tpu.memory_space<hbm>> -> memref<1000000xf32, #tpu.memory_space<hbm>>
    tpu.enqueue_indirect_dma source(%dma_start3A_143 : memref<1000000xf32, #tpu.memory_space<hbm>>) target(%dma_start3A_138 : memref<128xf32, #tpu.memory_space<vmem>>) offsets(%dma_start3A_141 : memref<128xi32, #tpu.memory_space<vmem>>) semaphore(%arg18 : memref<!tpu.dma_semaphore, #tpu.memory_space<semaphore_mem>>)
    %dma_wait3A = arith.constant 0 : i32
    %dma_wait3A_144 = arith.constant 0 : i32
    %dma_wait3A_145 = arith.constant 0 : i32
    %dma_wait3A_146 = tpu.memref_slice %arg12[%dma_wait3A_144, %dma_wait3A_145] : memref<512x32xf32, #tpu.memory_space<vmem>> -> memref<128x32xf32, #tpu.memory_space<vmem>>
    %dma_wait3A_147 = arith.constant 0 : i32
    %dma_wait3A_148 = tpu.memref_slice %arg10[%dma_wait3A, %dma_wait3A_147] : memref<4x128xi32, #tpu.memory_space<vmem>> -> memref<1x128xi32, #tpu.memory_space<vmem>>
    %dma_wait3A_149 = tpu.memref_squeeze %dma_wait3A_148 : memref<1x128xi32, #tpu.memory_space<vmem>> -> memref<128xi32, #tpu.memory_space<vmem>>
    %dma_wait3A_150 = arith.constant 0 : i32
    %dma_wait3A_151 = arith.constant 0 : i32
    %dma_wait3A_152 = tpu.memref_slice %arg4[%dma_wait3A_150, %dma_wait3A_151] : memref<1000000x32xf32, #tpu.memory_space<hbm>> -> memref<1000000x32xf32, #tpu.memory_space<hbm>>
    tpu.wait_indirect_dma semaphore(%arg18 : memref<!tpu.dma_semaphore, #tpu.memory_space<semaphore_mem>>) src(%dma_wait3A_152 : memref<1000000x32xf32, #tpu.memory_space<hbm>>) dst(%dma_wait3A_146 : memref<128x32xf32, #tpu.memory_space<vmem>>)
    %dma_wait3A_153 = arith.constant 0 : i32
    %dma_wait3A_154 = arith.constant 0 : i32
    %dma_wait3A_155 = arith.constant 0 : i32
    %dma_wait3A_156 = tpu.memref_slice %arg13[%dma_wait3A_154, %dma_wait3A_155] : memref<512x32xf32, #tpu.memory_space<vmem>> -> memref<128x32xf32, #tpu.memory_space<vmem>>
    %dma_wait3A_157 = arith.constant 0 : i32
    %dma_wait3A_158 = tpu.memref_slice %arg11[%dma_wait3A_153, %dma_wait3A_157] : memref<4x128xi32, #tpu.memory_space<vmem>> -> memref<1x128xi32, #tpu.memory_space<vmem>>
    %dma_wait3A_159 = tpu.memref_squeeze %dma_wait3A_158 : memref<1x128xi32, #tpu.memory_space<vmem>> -> memref<128xi32, #tpu.memory_space<vmem>>
    %dma_wait3A_160 = arith.constant 0 : i32
    %dma_wait3A_161 = arith.constant 0 : i32
    %dma_wait3A_162 = tpu.memref_slice %arg5[%dma_wait3A_160, %dma_wait3A_161] : memref<1000000x32xf32, #tpu.memory_space<hbm>> -> memref<1000000x32xf32, #tpu.memory_space<hbm>>
    tpu.wait_indirect_dma semaphore(%arg18 : memref<!tpu.dma_semaphore, #tpu.memory_space<semaphore_mem>>) src(%dma_wait3A_162 : memref<1000000x32xf32, #tpu.memory_space<hbm>>) dst(%dma_wait3A_156 : memref<128x32xf32, #tpu.memory_space<vmem>>)
    %dma_wait3A_163 = arith.constant 0 : i32
    %dma_wait3A_164 = arith.constant 0 : i32
    %dma_wait3A_165 = tpu.memref_slice %arg14[%dma_wait3A_164] : memref<512xf32, #tpu.memory_space<vmem>> -> memref<128xf32, #tpu.memory_space<vmem>>
    %dma_wait3A_166 = arith.constant 0 : i32
    %dma_wait3A_167 = tpu.memref_slice %arg10[%dma_wait3A_163, %dma_wait3A_166] : memref<4x128xi32, #tpu.memory_space<vmem>> -> memref<1x128xi32, #tpu.memory_space<vmem>>
    %dma_wait3A_168 = tpu.memref_squeeze %dma_wait3A_167 : memref<1x128xi32, #tpu.memory_space<vmem>> -> memref<128xi32, #tpu.memory_space<vmem>>
    %dma_wait3A_169 = arith.constant 0 : i32
    %dma_wait3A_170 = tpu.memref_slice %arg6[%dma_wait3A_169] : memref<1000000xf32, #tpu.memory_space<hbm>> -> memref<1000000xf32, #tpu.memory_space<hbm>>
    tpu.wait_indirect_dma semaphore(%arg18 : memref<!tpu.dma_semaphore, #tpu.memory_space<semaphore_mem>>) src(%dma_wait3A_170 : memref<1000000xf32, #tpu.memory_space<hbm>>) dst(%dma_wait3A_165 : memref<128xf32, #tpu.memory_space<vmem>>)
    %dma_wait3A_171 = arith.constant 0 : i32
    %dma_wait3A_172 = arith.constant 0 : i32
    %dma_wait3A_173 = tpu.memref_slice %arg15[%dma_wait3A_172] : memref<512xf32, #tpu.memory_space<vmem>> -> memref<128xf32, #tpu.memory_space<vmem>>
    %dma_wait3A_174 = arith.constant 0 : i32
    %dma_wait3A_175 = tpu.memref_slice %arg11[%dma_wait3A_171, %dma_wait3A_174] : memref<4x128xi32, #tpu.memory_space<vmem>> -> memref<1x128xi32, #tpu.memory_space<vmem>>
    %dma_wait3A_176 = tpu.memref_squeeze %dma_wait3A_175 : memref<1x128xi32, #tpu.memory_space<vmem>> -> memref<128xi32, #tpu.memory_space<vmem>>
    %dma_wait3A_177 = arith.constant 0 : i32
    %dma_wait3A_178 = tpu.memref_slice %arg7[%dma_wait3A_177] : memref<1000000xf32, #tpu.memory_space<hbm>> -> memref<1000000xf32, #tpu.memory_space<hbm>>
    tpu.wait_indirect_dma semaphore(%arg18 : memref<!tpu.dma_semaphore, #tpu.memory_space<semaphore_mem>>) src(%dma_wait3A_178 : memref<1000000xf32, #tpu.memory_space<hbm>>) dst(%dma_wait3A_173 : memref<128xf32, #tpu.memory_space<vmem>>)
    %dma_wait3A_179 = arith.constant 1 : i32
    %dma_wait3A_180 = arith.constant 128 : i32
    %dma_wait3A_181 = arith.constant 0 : i32
    %dma_wait3A_182 = tpu.memref_slice %arg12[%dma_wait3A_180, %dma_wait3A_181] : memref<512x32xf32, #tpu.memory_space<vmem>> -> memref<128x32xf32, #tpu.memory_space<vmem>>
    %dma_wait3A_183 = arith.constant 0 : i32
    %dma_wait3A_184 = tpu.memref_slice %arg10[%dma_wait3A_179, %dma_wait3A_183] : memref<4x128xi32, #tpu.memory_space<vmem>> -> memref<1x128xi32, #tpu.memory_space<vmem>>
    %dma_wait3A_185 = tpu.memref_squeeze %dma_wait3A_184 : memref<1x128xi32, #tpu.memory_space<vmem>> -> memref<128xi32, #tpu.memory_space<vmem>>
    %dma_wait3A_186 = arith.constant 0 : i32
    %dma_wait3A_187 = arith.constant 0 : i32
    %dma_wait3A_188 = tpu.memref_slice %arg4[%dma_wait3A_186, %dma_wait3A_187] : memref<1000000x32xf32, #tpu.memory_space<hbm>> -> memref<1000000x32xf32, #tpu.memory_space<hbm>>
    tpu.wait_indirect_dma semaphore(%arg18 : memref<!tpu.dma_semaphore, #tpu.memory_space<semaphore_mem>>) src(%dma_wait3A_188 : memref<1000000x32xf32, #tpu.memory_space<hbm>>) dst(%dma_wait3A_182 : memref<128x32xf32, #tpu.memory_space<vmem>>)
    %dma_wait3A_189 = arith.constant 1 : i32
    %dma_wait3A_190 = arith.constant 128 : i32
    %dma_wait3A_191 = arith.constant 0 : i32
    %dma_wait3A_192 = tpu.memref_slice %arg13[%dma_wait3A_190, %dma_wait3A_191] : memref<512x32xf32, #tpu.memory_space<vmem>> -> memref<128x32xf32, #tpu.memory_space<vmem>>
    %dma_wait3A_193 = arith.constant 0 : i32
    %dma_wait3A_194 = tpu.memref_slice %arg11[%dma_wait3A_189, %dma_wait3A_193] : memref<4x128xi32, #tpu.memory_space<vmem>> -> memref<1x128xi32, #tpu.memory_space<vmem>>
    %dma_wait3A_195 = tpu.memref_squeeze %dma_wait3A_194 : memref<1x128xi32, #tpu.memory_space<vmem>> -> memref<128xi32, #tpu.memory_space<vmem>>
    %dma_wait3A_196 = arith.constant 0 : i32
    %dma_wait3A_197 = arith.constant 0 : i32
    %dma_wait3A_198 = tpu.memref_slice %arg5[%dma_wait3A_196, %dma_wait3A_197] : memref<1000000x32xf32, #tpu.memory_space<hbm>> -> memref<1000000x32xf32, #tpu.memory_space<hbm>>
    tpu.wait_indirect_dma semaphore(%arg18 : memref<!tpu.dma_semaphore, #tpu.memory_space<semaphore_mem>>) src(%dma_wait3A_198 : memref<1000000x32xf32, #tpu.memory_space<hbm>>) dst(%dma_wait3A_192 : memref<128x32xf32, #tpu.memory_space<vmem>>)
    %dma_wait3A_199 = arith.constant 1 : i32
    %dma_wait3A_200 = arith.constant 128 : i32
    %dma_wait3A_201 = tpu.memref_slice %arg14[%dma_wait3A_200] : memref<512xf32, #tpu.memory_space<vmem>> -> memref<128xf32, #tpu.memory_space<vmem>>
    %dma_wait3A_202 = arith.constant 0 : i32
    %dma_wait3A_203 = tpu.memref_slice %arg10[%dma_wait3A_199, %dma_wait3A_202] : memref<4x128xi32, #tpu.memory_space<vmem>> -> memref<1x128xi32, #tpu.memory_space<vmem>>
    %dma_wait3A_204 = tpu.memref_squeeze %dma_wait3A_203 : memref<1x128xi32, #tpu.memory_space<vmem>> -> memref<128xi32, #tpu.memory_space<vmem>>
    %dma_wait3A_205 = arith.constant 0 : i32
    %dma_wait3A_206 = tpu.memref_slice %arg6[%dma_wait3A_205] : memref<1000000xf32, #tpu.memory_space<hbm>> -> memref<1000000xf32, #tpu.memory_space<hbm>>
    tpu.wait_indirect_dma semaphore(%arg18 : memref<!tpu.dma_semaphore, #tpu.memory_space<semaphore_mem>>) src(%dma_wait3A_206 : memref<1000000xf32, #tpu.memory_space<hbm>>) dst(%dma_wait3A_201 : memref<128xf32, #tpu.memory_space<vmem>>)
    %dma_wait3A_207 = arith.constant 1 : i32
    %dma_wait3A_208 = arith.constant 128 : i32
    %dma_wait3A_209 = tpu.memref_slice %arg15[%dma_wait3A_208] : memref<512xf32, #tpu.memory_space<vmem>> -> memref<128xf32, #tpu.memory_space<vmem>>
    %dma_wait3A_210 = arith.constant 0 : i32
    %dma_wait3A_211 = tpu.memref_slice %arg11[%dma_wait3A_207, %dma_wait3A_210] : memref<4x128xi32, #tpu.memory_space<vmem>> -> memref<1x128xi32, #tpu.memory_space<vmem>>
    %dma_wait3A_212 = tpu.memref_squeeze %dma_wait3A_211 : memref<1x128xi32, #tpu.memory_space<vmem>> -> memref<128xi32, #tpu.memory_space<vmem>>
    %dma_wait3A_213 = arith.constant 0 : i32
    %dma_wait3A_214 = tpu.memref_slice %arg7[%dma_wait3A_213] : memref<1000000xf32, #tpu.memory_space<hbm>> -> memref<1000000xf32, #tpu.memory_space<hbm>>
    tpu.wait_indirect_dma semaphore(%arg18 : memref<!tpu.dma_semaphore, #tpu.memory_space<semaphore_mem>>) src(%dma_wait3A_214 : memref<1000000xf32, #tpu.memory_space<hbm>>) dst(%dma_wait3A_209 : memref<128xf32, #tpu.memory_space<vmem>>)
    %dma_wait3A_215 = arith.constant 2 : i32
    %dma_wait3A_216 = arith.constant 256 : i32
    %dma_wait3A_217 = arith.constant 0 : i32
    %dma_wait3A_218 = tpu.memref_slice %arg12[%dma_wait3A_216, %dma_wait3A_217] : memref<512x32xf32, #tpu.memory_space<vmem>> -> memref<128x32xf32, #tpu.memory_space<vmem>>
    %dma_wait3A_219 = arith.constant 0 : i32
    %dma_wait3A_220 = tpu.memref_slice %arg10[%dma_wait3A_215, %dma_wait3A_219] : memref<4x128xi32, #tpu.memory_space<vmem>> -> memref<1x128xi32, #tpu.memory_space<vmem>>
    %dma_wait3A_221 = tpu.memref_squeeze %dma_wait3A_220 : memref<1x128xi32, #tpu.memory_space<vmem>> -> memref<128xi32, #tpu.memory_space<vmem>>
    %dma_wait3A_222 = arith.constant 0 : i32
    %dma_wait3A_223 = arith.constant 0 : i32
    %dma_wait3A_224 = tpu.memref_slice %arg4[%dma_wait3A_222, %dma_wait3A_223] : memref<1000000x32xf32, #tpu.memory_space<hbm>> -> memref<1000000x32xf32, #tpu.memory_space<hbm>>
    tpu.wait_indirect_dma semaphore(%arg18 : memref<!tpu.dma_semaphore, #tpu.memory_space<semaphore_mem>>) src(%dma_wait3A_224 : memref<1000000x32xf32, #tpu.memory_space<hbm>>) dst(%dma_wait3A_218 : memref<128x32xf32, #tpu.memory_space<vmem>>)
    %dma_wait3A_225 = arith.constant 2 : i32
    %dma_wait3A_226 = arith.constant 256 : i32
    %dma_wait3A_227 = arith.constant 0 : i32
    %dma_wait3A_228 = tpu.memref_slice %arg13[%dma_wait3A_226, %dma_wait3A_227] : memref<512x32xf32, #tpu.memory_space<vmem>> -> memref<128x32xf32, #tpu.memory_space<vmem>>
    %dma_wait3A_229 = arith.constant 0 : i32
    %dma_wait3A_230 = tpu.memref_slice %arg11[%dma_wait3A_225, %dma_wait3A_229] : memref<4x128xi32, #tpu.memory_space<vmem>> -> memref<1x128xi32, #tpu.memory_space<vmem>>
    %dma_wait3A_231 = tpu.memref_squeeze %dma_wait3A_230 : memref<1x128xi32, #tpu.memory_space<vmem>> -> memref<128xi32, #tpu.memory_space<vmem>>
    %dma_wait3A_232 = arith.constant 0 : i32
    %dma_wait3A_233 = arith.constant 0 : i32
    %dma_wait3A_234 = tpu.memref_slice %arg5[%dma_wait3A_232, %dma_wait3A_233] : memref<1000000x32xf32, #tpu.memory_space<hbm>> -> memref<1000000x32xf32, #tpu.memory_space<hbm>>
    tpu.wait_indirect_dma semaphore(%arg18 : memref<!tpu.dma_semaphore, #tpu.memory_space<semaphore_mem>>) src(%dma_wait3A_234 : memref<1000000x32xf32, #tpu.memory_space<hbm>>) dst(%dma_wait3A_228 : memref<128x32xf32, #tpu.memory_space<vmem>>)
    %dma_wait3A_235 = arith.constant 2 : i32
    %dma_wait3A_236 = arith.constant 256 : i32
    %dma_wait3A_237 = tpu.memref_slice %arg14[%dma_wait3A_236] : memref<512xf32, #tpu.memory_space<vmem>> -> memref<128xf32, #tpu.memory_space<vmem>>
    %dma_wait3A_238 = arith.constant 0 : i32
    %dma_wait3A_239 = tpu.memref_slice %arg10[%dma_wait3A_235, %dma_wait3A_238] : memref<4x128xi32, #tpu.memory_space<vmem>> -> memref<1x128xi32, #tpu.memory_space<vmem>>
    %dma_wait3A_240 = tpu.memref_squeeze %dma_wait3A_239 : memref<1x128xi32, #tpu.memory_space<vmem>> -> memref<128xi32, #tpu.memory_space<vmem>>
    %dma_wait3A_241 = arith.constant 0 : i32
    %dma_wait3A_242 = tpu.memref_slice %arg6[%dma_wait3A_241] : memref<1000000xf32, #tpu.memory_space<hbm>> -> memref<1000000xf32, #tpu.memory_space<hbm>>
    tpu.wait_indirect_dma semaphore(%arg18 : memref<!tpu.dma_semaphore, #tpu.memory_space<semaphore_mem>>) src(%dma_wait3A_242 : memref<1000000xf32, #tpu.memory_space<hbm>>) dst(%dma_wait3A_237 : memref<128xf32, #tpu.memory_space<vmem>>)
    %dma_wait3A_243 = arith.constant 2 : i32
    %dma_wait3A_244 = arith.constant 256 : i32
    %dma_wait3A_245 = tpu.memref_slice %arg15[%dma_wait3A_244] : memref<512xf32, #tpu.memory_space<vmem>> -> memref<128xf32, #tpu.memory_space<vmem>>
    %dma_wait3A_246 = arith.constant 0 : i32
    %dma_wait3A_247 = tpu.memref_slice %arg11[%dma_wait3A_243, %dma_wait3A_246] : memref<4x128xi32, #tpu.memory_space<vmem>> -> memref<1x128xi32, #tpu.memory_space<vmem>>
    %dma_wait3A_248 = tpu.memref_squeeze %dma_wait3A_247 : memref<1x128xi32, #tpu.memory_space<vmem>> -> memref<128xi32, #tpu.memory_space<vmem>>
    %dma_wait3A_249 = arith.constant 0 : i32
    %dma_wait3A_250 = tpu.memref_slice %arg7[%dma_wait3A_249] : memref<1000000xf32, #tpu.memory_space<hbm>> -> memref<1000000xf32, #tpu.memory_space<hbm>>
    tpu.wait_indirect_dma semaphore(%arg18 : memref<!tpu.dma_semaphore, #tpu.memory_space<semaphore_mem>>) src(%dma_wait3A_250 : memref<1000000xf32, #tpu.memory_space<hbm>>) dst(%dma_wait3A_245 : memref<128xf32, #tpu.memory_space<vmem>>)
    %dma_wait3A_251 = arith.constant 3 : i32
    %dma_wait3A_252 = arith.constant 384 : i32
    %dma_wait3A_253 = arith.constant 0 : i32
    %dma_wait3A_254 = tpu.memref_slice %arg12[%dma_wait3A_252, %dma_wait3A_253] : memref<512x32xf32, #tpu.memory_space<vmem>> -> memref<128x32xf32, #tpu.memory_space<vmem>>
    %dma_wait3A_255 = arith.constant 0 : i32
    %dma_wait3A_256 = tpu.memref_slice %arg10[%dma_wait3A_251, %dma_wait3A_255] : memref<4x128xi32, #tpu.memory_space<vmem>> -> memref<1x128xi32, #tpu.memory_space<vmem>>
    %dma_wait3A_257 = tpu.memref_squeeze %dma_wait3A_256 : memref<1x128xi32, #tpu.memory_space<vmem>> -> memref<128xi32, #tpu.memory_space<vmem>>
    %dma_wait3A_258 = arith.constant 0 : i32
    %dma_wait3A_259 = arith.constant 0 : i32
    %dma_wait3A_260 = tpu.memref_slice %arg4[%dma_wait3A_258, %dma_wait3A_259] : memref<1000000x32xf32, #tpu.memory_space<hbm>> -> memref<1000000x32xf32, #tpu.memory_space<hbm>>
    tpu.wait_indirect_dma semaphore(%arg18 : memref<!tpu.dma_semaphore, #tpu.memory_space<semaphore_mem>>) src(%dma_wait3A_260 : memref<1000000x32xf32, #tpu.memory_space<hbm>>) dst(%dma_wait3A_254 : memref<128x32xf32, #tpu.memory_space<vmem>>)
    %dma_wait3A_261 = arith.constant 3 : i32
    %dma_wait3A_262 = arith.constant 384 : i32
    %dma_wait3A_263 = arith.constant 0 : i32
    %dma_wait3A_264 = tpu.memref_slice %arg13[%dma_wait3A_262, %dma_wait3A_263] : memref<512x32xf32, #tpu.memory_space<vmem>> -> memref<128x32xf32, #tpu.memory_space<vmem>>
    %dma_wait3A_265 = arith.constant 0 : i32
    %dma_wait3A_266 = tpu.memref_slice %arg11[%dma_wait3A_261, %dma_wait3A_265] : memref<4x128xi32, #tpu.memory_space<vmem>> -> memref<1x128xi32, #tpu.memory_space<vmem>>
    %dma_wait3A_267 = tpu.memref_squeeze %dma_wait3A_266 : memref<1x128xi32, #tpu.memory_space<vmem>> -> memref<128xi32, #tpu.memory_space<vmem>>
    %dma_wait3A_268 = arith.constant 0 : i32
    %dma_wait3A_269 = arith.constant 0 : i32
    %dma_wait3A_270 = tpu.memref_slice %arg5[%dma_wait3A_268, %dma_wait3A_269] : memref<1000000x32xf32, #tpu.memory_space<hbm>> -> memref<1000000x32xf32, #tpu.memory_space<hbm>>
    tpu.wait_indirect_dma semaphore(%arg18 : memref<!tpu.dma_semaphore, #tpu.memory_space<semaphore_mem>>) src(%dma_wait3A_270 : memref<1000000x32xf32, #tpu.memory_space<hbm>>) dst(%dma_wait3A_264 : memref<128x32xf32, #tpu.memory_space<vmem>>)
    %dma_wait3A_271 = arith.constant 3 : i32
    %dma_wait3A_272 = arith.constant 384 : i32
    %dma_wait3A_273 = tpu.memref_slice %arg14[%dma_wait3A_272] : memref<512xf32, #tpu.memory_space<vmem>> -> memref<128xf32, #tpu.memory_space<vmem>>
    %dma_wait3A_274 = arith.constant 0 : i32
    %dma_wait3A_275 = tpu.memref_slice %arg10[%dma_wait3A_271, %dma_wait3A_274] : memref<4x128xi32, #tpu.memory_space<vmem>> -> memref<1x128xi32, #tpu.memory_space<vmem>>
    %dma_wait3A_276 = tpu.memref_squeeze %dma_wait3A_275 : memref<1x128xi32, #tpu.memory_space<vmem>> -> memref<128xi32, #tpu.memory_space<vmem>>
    %dma_wait3A_277 = arith.constant 0 : i32
    %dma_wait3A_278 = tpu.memref_slice %arg6[%dma_wait3A_277] : memref<1000000xf32, #tpu.memory_space<hbm>> -> memref<1000000xf32, #tpu.memory_space<hbm>>
    tpu.wait_indirect_dma semaphore(%arg18 : memref<!tpu.dma_semaphore, #tpu.memory_space<semaphore_mem>>) src(%dma_wait3A_278 : memref<1000000xf32, #tpu.memory_space<hbm>>) dst(%dma_wait3A_273 : memref<128xf32, #tpu.memory_space<vmem>>)
    %dma_wait3A_279 = arith.constant 3 : i32
    %dma_wait3A_280 = arith.constant 384 : i32
    %dma_wait3A_281 = tpu.memref_slice %arg15[%dma_wait3A_280] : memref<512xf32, #tpu.memory_space<vmem>> -> memref<128xf32, #tpu.memory_space<vmem>>
    %dma_wait3A_282 = arith.constant 0 : i32
    %dma_wait3A_283 = tpu.memref_slice %arg11[%dma_wait3A_279, %dma_wait3A_282] : memref<4x128xi32, #tpu.memory_space<vmem>> -> memref<1x128xi32, #tpu.memory_space<vmem>>
    %dma_wait3A_284 = tpu.memref_squeeze %dma_wait3A_283 : memref<1x128xi32, #tpu.memory_space<vmem>> -> memref<128xi32, #tpu.memory_space<vmem>>
    %dma_wait3A_285 = arith.constant 0 : i32
    %dma_wait3A_286 = tpu.memref_slice %arg7[%dma_wait3A_285] : memref<1000000xf32, #tpu.memory_space<hbm>> -> memref<1000000xf32, #tpu.memory_space<hbm>>
    tpu.wait_indirect_dma semaphore(%arg18 : memref<!tpu.dma_semaphore, #tpu.memory_space<semaphore_mem>>) src(%dma_wait3A_286 : memref<1000000xf32, #tpu.memory_space<hbm>>) dst(%dma_wait3A_281 : memref<128xf32, #tpu.memory_space<vmem>>)
    %get3A = arith.constant 0 : index
    %get3A_287 = tpu.vector_load %arg16[%get3A] {strides = array<i32>} : memref<16xf32, #tpu.memory_space<vmem>>, vector<16xf32>,
    %iota3A = tpu.iota {dimensions = array<i32: 0>} : vector<16xi32>
    %scan3A = arith.constant 0 : i32
    %scan3A_288 = arith.constant 0 : i32
    %scan3A_289 = arith.constant 32 : i32
    %scan3A_290 = arith.addi %scan3A_288, %scan3A_289 : i32
    %scan3A_291 = arith.constant 1 : i32
    scf.for %scan3A_295 = %scan3A_288 to %scan3A_290 step %scan3A_291  : i32 {
      %mul3A_296 = arith.constant 16 : i32
      %mul3A_297 = arith.muli %scan3A_295, %mul3A_296 : i32
      %add3A_298 = vector.broadcast %mul3A_297 : i32 to vector<16xi32>
      %add3A_299 = arith.addi %add3A_298, %iota3A : vector<16xi32>
      %broadcast_in_dim3A = arith.constant 0.000000e+00 : f32
      %broadcast_in_dim3A_300 = vector.broadcast %broadcast_in_dim3A : f32 to vector<16xf32>
      %broadcast_in_dim3A_301 = arith.constant 0.000000e+00 : f32
      %broadcast_in_dim3A_302 = vector.broadcast %broadcast_in_dim3A_301 : f32 to vector<16xf32>
      %broadcast_in_dim3A_303 = arith.constant 0.000000e+00 : f32
      %broadcast_in_dim3A_304 = vector.broadcast %broadcast_in_dim3A_303 : f32 to vector<16xf32>
      %broadcast_in_dim3A_305 = arith.constant 0.000000e+00 : f32
      %broadcast_in_dim3A_306 = vector.broadcast %broadcast_in_dim3A_305 : f32 to vector<16xf32>
      %broadcast_in_dim3A_307 = arith.constant 0 : i32
      %broadcast_in_dim3A_308 = vector.broadcast %broadcast_in_dim3A_307 : i32 to vector<16xi32>
      %gather3A = tpu.vector_load_idx %arg12[%add3A_299, %broadcast_in_dim3A_308] : memref<512x32xf32, #tpu.memory_space<vmem>>[vector<16xi32>, vector<16xi32>], vector<16xf32>,
      %gather3A_309 = tpu.vector_load_idx %arg13[%add3A_299, %broadcast_in_dim3A_308] : memref<512x32xf32, #tpu.memory_space<vmem>>[vector<16xi32>, vector<16xi32>], vector<16xf32>,
      %mul3A_310 = arith.mulf %gather3A, %gather3A_309 : vector<16xf32>
      %add3A_311 = arith.addf %broadcast_in_dim3A_300, %mul3A_310 : vector<16xf32>
      %broadcast_in_dim3A_312 = arith.constant 1 : i32
      %broadcast_in_dim3A_313 = vector.broadcast %broadcast_in_dim3A_312 : i32 to vector<16xi32>
      %gather3A_314 = tpu.vector_load_idx %arg12[%add3A_299, %broadcast_in_dim3A_313] : memref<512x32xf32, #tpu.memory_space<vmem>>[vector<16xi32>, vector<16xi32>], vector<16xf32>,
      %gather3A_315 = tpu.vector_load_idx %arg13[%add3A_299, %broadcast_in_dim3A_313] : memref<512x32xf32, #tpu.memory_space<vmem>>[vector<16xi32>, vector<16xi32>], vector<16xf32>,
      %mul3A_316 = arith.mulf %gather3A_314, %gather3A_315 : vector<16xf32>
      %add3A_317 = arith.addf %broadcast_in_dim3A_302, %mul3A_316 : vector<16xf32>
      %broadcast_in_dim3A_318 = arith.constant 2 : i32
      %broadcast_in_dim3A_319 = vector.broadcast %broadcast_in_dim3A_318 : i32 to vector<16xi32>
      %gather3A_320 = tpu.vector_load_idx %arg12[%add3A_299, %broadcast_in_dim3A_319] : memref<512x32xf32, #tpu.memory_space<vmem>>[vector<16xi32>, vector<16xi32>], vector<16xf32>,
      %gather3A_321 = tpu.vector_load_idx %arg13[%add3A_299, %broadcast_in_dim3A_319] : memref<512x32xf32, #tpu.memory_space<vmem>>[vector<16xi32>, vector<16xi32>], vector<16xf32>,
      %mul3A_322 = arith.mulf %gather3A_320, %gather3A_321 : vector<16xf32>
      %add3A_323 = arith.addf %broadcast_in_dim3A_304, %mul3A_322 : vector<16xf32>
      %broadcast_in_dim3A_324 = arith.constant 3 : i32
      %broadcast_in_dim3A_325 = vector.broadcast %broadcast_in_dim3A_324 : i32 to vector<16xi32>
      %gather3A_326 = tpu.vector_load_idx %arg12[%add3A_299, %broadcast_in_dim3A_325] : memref<512x32xf32, #tpu.memory_space<vmem>>[vector<16xi32>, vector<16xi32>], vector<16xf32>,
      %gather3A_327 = tpu.vector_load_idx %arg13[%add3A_299, %broadcast_in_dim3A_325] : memref<512x32xf32, #tpu.memory_space<vmem>>[vector<16xi32>, vector<16xi32>], vector<16xf32>,
      %mul3A_328 = arith.mulf %gather3A_326, %gather3A_327 : vector<16xf32>
      %add3A_329 = arith.addf %broadcast_in_dim3A_306, %mul3A_328 : vector<16xf32>
      %broadcast_in_dim3A_330 = arith.constant 4 : i32
      %broadcast_in_dim3A_331 = vector.broadcast %broadcast_in_dim3A_330 : i32 to vector<16xi32>
      %gather3A_332 = tpu.vector_load_idx %arg12[%add3A_299, %broadcast_in_dim3A_331] : memref<512x32xf32, #tpu.memory_space<vmem>>[vector<16xi32>, vector<16xi32>], vector<16xf32>,
      %gather3A_333 = tpu.vector_load_idx %arg13[%add3A_299, %broadcast_in_dim3A_331] : memref<512x32xf32, #tpu.memory_space<vmem>>[vector<16xi32>, vector<16xi32>], vector<16xf32>,
      %mul3A_334 = arith.mulf %gather3A_332, %gather3A_333 : vector<16xf32>
      %add3A_335 = arith.addf %add3A_311, %mul3A_334 : vector<16xf32>
      %broadcast_in_dim3A_336 = arith.constant 5 : i32
      %broadcast_in_dim3A_337 = vector.broadcast %broadcast_in_dim3A_336 : i32 to vector<16xi32>
      %gather3A_338 = tpu.vector_load_idx %arg12[%add3A_299, %broadcast_in_dim3A_337] : memref<512x32xf32, #tpu.memory_space<vmem>>[vector<16xi32>, vector<16xi32>], vector<16xf32>,
      %gather3A_339 = tpu.vector_load_idx %arg13[%add3A_299, %broadcast_in_dim3A_337] : memref<512x32xf32, #tpu.memory_space<vmem>>[vector<16xi32>, vector<16xi32>], vector<16xf32>,
      %mul3A_340 = arith.mulf %gather3A_338, %gather3A_339 : vector<16xf32>
      %add3A_341 = arith.addf %add3A_317, %mul3A_340 : vector<16xf32>
      %broadcast_in_dim3A_342 = arith.constant 6 : i32
      %broadcast_in_dim3A_343 = vector.broadcast %broadcast_in_dim3A_342 : i32 to vector<16xi32>
      %gather3A_344 = tpu.vector_load_idx %arg12[%add3A_299, %broadcast_in_dim3A_343] : memref<512x32xf32, #tpu.memory_space<vmem>>[vector<16xi32>, vector<16xi32>], vector<16xf32>,
      %gather3A_345 = tpu.vector_load_idx %arg13[%add3A_299, %broadcast_in_dim3A_343] : memref<512x32xf32, #tpu.memory_space<vmem>>[vector<16xi32>, vector<16xi32>], vector<16xf32>,
      %mul3A_346 = arith.mulf %gather3A_344, %gather3A_345 : vector<16xf32>
      %add3A_347 = arith.addf %add3A_323, %mul3A_346 : vector<16xf32>
      %broadcast_in_dim3A_348 = arith.constant 7 : i32
      %broadcast_in_dim3A_349 = vector.broadcast %broadcast_in_dim3A_348 : i32 to vector<16xi32>
      %gather3A_350 = tpu.vector_load_idx %arg12[%add3A_299, %broadcast_in_dim3A_349] : memref<512x32xf32, #tpu.memory_space<vmem>>[vector<16xi32>, vector<16xi32>], vector<16xf32>,
      %gather3A_351 = tpu.vector_load_idx %arg13[%add3A_299, %broadcast_in_dim3A_349] : memref<512x32xf32, #tpu.memory_space<vmem>>[vector<16xi32>, vector<16xi32>], vector<16xf32>,
      %mul3A_352 = arith.mulf %gather3A_350, %gather3A_351 : vector<16xf32>
      %add3A_353 = arith.addf %add3A_329, %mul3A_352 : vector<16xf32>
      %broadcast_in_dim3A_354 = arith.constant 8 : i32
      %broadcast_in_dim3A_355 = vector.broadcast %broadcast_in_dim3A_354 : i32 to vector<16xi32>
      %gather3A_356 = tpu.vector_load_idx %arg12[%add3A_299, %broadcast_in_dim3A_355] : memref<512x32xf32, #tpu.memory_space<vmem>>[vector<16xi32>, vector<16xi32>], vector<16xf32>,
      %gather3A_357 = tpu.vector_load_idx %arg13[%add3A_299, %broadcast_in_dim3A_355] : memref<512x32xf32, #tpu.memory_space<vmem>>[vector<16xi32>, vector<16xi32>], vector<16xf32>,
      %mul3A_358 = arith.mulf %gather3A_356, %gather3A_357 : vector<16xf32>
      %add3A_359 = arith.addf %add3A_335, %mul3A_358 : vector<16xf32>
      %broadcast_in_dim3A_360 = arith.constant 9 : i32
      %broadcast_in_dim3A_361 = vector.broadcast %broadcast_in_dim3A_360 : i32 to vector<16xi32>
      %gather3A_362 = tpu.vector_load_idx %arg12[%add3A_299, %broadcast_in_dim3A_361] : memref<512x32xf32, #tpu.memory_space<vmem>>[vector<16xi32>, vector<16xi32>], vector<16xf32>,
      %gather3A_363 = tpu.vector_load_idx %arg13[%add3A_299, %broadcast_in_dim3A_361] : memref<512x32xf32, #tpu.memory_space<vmem>>[vector<16xi32>, vector<16xi32>], vector<16xf32>,
      %mul3A_364 = arith.mulf %gather3A_362, %gather3A_363 : vector<16xf32>
      %add3A_365 = arith.addf %add3A_341, %mul3A_364 : vector<16xf32>
      %broadcast_in_dim3A_366 = arith.constant 10 : i32
      %broadcast_in_dim3A_367 = vector.broadcast %broadcast_in_dim3A_366 : i32 to vector<16xi32>
      %gather3A_368 = tpu.vector_load_idx %arg12[%add3A_299, %broadcast_in_dim3A_367] : memref<512x32xf32, #tpu.memory_space<vmem>>[vector<16xi32>, vector<16xi32>], vector<16xf32>,
      %gather3A_369 = tpu.vector_load_idx %arg13[%add3A_299, %broadcast_in_dim3A_367] : memref<512x32xf32, #tpu.memory_space<vmem>>[vector<16xi32>, vector<16xi32>], vector<16xf32>,
      %mul3A_370 = arith.mulf %gather3A_368, %gather3A_369 : vector<16xf32>
      %add3A_371 = arith.addf %add3A_347, %mul3A_370 : vector<16xf32>
      %broadcast_in_dim3A_372 = arith.constant 11 : i32
      %broadcast_in_dim3A_373 = vector.broadcast %broadcast_in_dim3A_372 : i32 to vector<16xi32>
      %gather3A_374 = tpu.vector_load_idx %arg12[%add3A_299, %broadcast_in_dim3A_373] : memref<512x32xf32, #tpu.memory_space<vmem>>[vector<16xi32>, vector<16xi32>], vector<16xf32>,
      %gather3A_375 = tpu.vector_load_idx %arg13[%add3A_299, %broadcast_in_dim3A_373] : memref<512x32xf32, #tpu.memory_space<vmem>>[vector<16xi32>, vector<16xi32>], vector<16xf32>,
      %mul3A_376 = arith.mulf %gather3A_374, %gather3A_375 : vector<16xf32>
      %add3A_377 = arith.addf %add3A_353, %mul3A_376 : vector<16xf32>
      %broadcast_in_dim3A_378 = arith.constant 12 : i32
      %broadcast_in_dim3A_379 = vector.broadcast %broadcast_in_dim3A_378 : i32 to vector<16xi32>
      %gather3A_380 = tpu.vector_load_idx %arg12[%add3A_299, %broadcast_in_dim3A_379] : memref<512x32xf32, #tpu.memory_space<vmem>>[vector<16xi32>, vector<16xi32>], vector<16xf32>,
      %gather3A_381 = tpu.vector_load_idx %arg13[%add3A_299, %broadcast_in_dim3A_379] : memref<512x32xf32, #tpu.memory_space<vmem>>[vector<16xi32>, vector<16xi32>], vector<16xf32>,
      %mul3A_382 = arith.mulf %gather3A_380, %gather3A_381 : vector<16xf32>
      %add3A_383 = arith.addf %add3A_359, %mul3A_382 : vector<16xf32>
      %broadcast_in_dim3A_384 = arith.constant 13 : i32
      %broadcast_in_dim3A_385 = vector.broadcast %broadcast_in_dim3A_384 : i32 to vector<16xi32>
      %gather3A_386 = tpu.vector_load_idx %arg12[%add3A_299, %broadcast_in_dim3A_385] : memref<512x32xf32, #tpu.memory_space<vmem>>[vector<16xi32>, vector<16xi32>], vector<16xf32>,
      %gather3A_387 = tpu.vector_load_idx %arg13[%add3A_299, %broadcast_in_dim3A_385] : memref<512x32xf32, #tpu.memory_space<vmem>>[vector<16xi32>, vector<16xi32>], vector<16xf32>,
      %mul3A_388 = arith.mulf %gather3A_386, %gather3A_387 : vector<16xf32>
      %add3A_389 = arith.addf %add3A_365, %mul3A_388 : vector<16xf32>
      %broadcast_in_dim3A_390 = arith.constant 14 : i32
      %broadcast_in_dim3A_391 = vector.broadcast %broadcast_in_dim3A_390 : i32 to vector<16xi32>
      %gather3A_392 = tpu.vector_load_idx %arg12[%add3A_299, %broadcast_in_dim3A_391] : memref<512x32xf32, #tpu.memory_space<vmem>>[vector<16xi32>, vector<16xi32>], vector<16xf32>,
      %gather3A_393 = tpu.vector_load_idx %arg13[%add3A_299, %broadcast_in_dim3A_391] : memref<512x32xf32, #tpu.memory_space<vmem>>[vector<16xi32>, vector<16xi32>], vector<16xf32>,
      %mul3A_394 = arith.mulf %gather3A_392, %gather3A_393 : vector<16xf32>
      %add3A_395 = arith.addf %add3A_371, %mul3A_394 : vector<16xf32>
      %broadcast_in_dim3A_396 = arith.constant 15 : i32
      %broadcast_in_dim3A_397 = vector.broadcast %broadcast_in_dim3A_396 : i32 to vector<16xi32>
      %gather3A_398 = tpu.vector_load_idx %arg12[%add3A_299, %broadcast_in_dim3A_397] : memref<512x32xf32, #tpu.memory_space<vmem>>[vector<16xi32>, vector<16xi32>], vector<16xf32>,
      %gather3A_399 = tpu.vector_load_idx %arg13[%add3A_299, %broadcast_in_dim3A_397] : memref<512x32xf32, #tpu.memory_space<vmem>>[vector<16xi32>, vector<16xi32>], vector<16xf32>,
      %mul3A_400 = arith.mulf %gather3A_398, %gather3A_399 : vector<16xf32>
      %add3A_401 = arith.addf %add3A_377, %mul3A_400 : vector<16xf32>
      %broadcast_in_dim3A_402 = arith.constant 16 : i32
      %broadcast_in_dim3A_403 = vector.broadcast %broadcast_in_dim3A_402 : i32 to vector<16xi32>
      %gather3A_404 = tpu.vector_load_idx %arg12[%add3A_299, %broadcast_in_dim3A_403] : memref<512x32xf32, #tpu.memory_space<vmem>>[vector<16xi32>, vector<16xi32>], vector<16xf32>,
      %gather3A_405 = tpu.vector_load_idx %arg13[%add3A_299, %broadcast_in_dim3A_403] : memref<512x32xf32, #tpu.memory_space<vmem>>[vector<16xi32>, vector<16xi32>], vector<16xf32>,
      %mul3A_406 = arith.mulf %gather3A_404, %gather3A_405 : vector<16xf32>
      %add3A_407 = arith.addf %add3A_383, %mul3A_406 : vector<16xf32>
      %broadcast_in_dim3A_408 = arith.constant 17 : i32
      %broadcast_in_dim3A_409 = vector.broadcast %broadcast_in_dim3A_408 : i32 to vector<16xi32>
      %gather3A_410 = tpu.vector_load_idx %arg12[%add3A_299, %broadcast_in_dim3A_409] : memref<512x32xf32, #tpu.memory_space<vmem>>[vector<16xi32>, vector<16xi32>], vector<16xf32>,
      %gather3A_411 = tpu.vector_load_idx %arg13[%add3A_299, %broadcast_in_dim3A_409] : memref<512x32xf32, #tpu.memory_space<vmem>>[vector<16xi32>, vector<16xi32>], vector<16xf32>,
      %mul3A_412 = arith.mulf %gather3A_410, %gather3A_411 : vector<16xf32>
      %add3A_413 = arith.addf %add3A_389, %mul3A_412 : vector<16xf32>
      %broadcast_in_dim3A_414 = arith.constant 18 : i32
      %broadcast_in_dim3A_415 = vector.broadcast %broadcast_in_dim3A_414 : i32 to vector<16xi32>
      %gather3A_416 = tpu.vector_load_idx %arg12[%add3A_299, %broadcast_in_dim3A_415] : memref<512x32xf32, #tpu.memory_space<vmem>>[vector<16xi32>, vector<16xi32>], vector<16xf32>,
      %gather3A_417 = tpu.vector_load_idx %arg13[%add3A_299, %broadcast_in_dim3A_415] : memref<512x32xf32, #tpu.memory_space<vmem>>[vector<16xi32>, vector<16xi32>], vector<16xf32>,
      %mul3A_418 = arith.mulf %gather3A_416, %gather3A_417 : vector<16xf32>
      %add3A_419 = arith.addf %add3A_395, %mul3A_418 : vector<16xf32>
      %broadcast_in_dim3A_420 = arith.constant 19 : i32
      %broadcast_in_dim3A_421 = vector.broadcast %broadcast_in_dim3A_420 : i32 to vector<16xi32>
      %gather3A_422 = tpu.vector_load_idx %arg12[%add3A_299, %broadcast_in_dim3A_421] : memref<512x32xf32, #tpu.memory_space<vmem>>[vector<16xi32>, vector<16xi32>], vector<16xf32>,
      %gather3A_423 = tpu.vector_load_idx %arg13[%add3A_299, %broadcast_in_dim3A_421] : memref<512x32xf32, #tpu.memory_space<vmem>>[vector<16xi32>, vector<16xi32>], vector<16xf32>,
      %mul3A_424 = arith.mulf %gather3A_422, %gather3A_423 : vector<16xf32>
      %add3A_425 = arith.addf %add3A_401, %mul3A_424 : vector<16xf32>
      %broadcast_in_dim3A_426 = arith.constant 20 : i32
      %broadcast_in_dim3A_427 = vector.broadcast %broadcast_in_dim3A_426 : i32 to vector<16xi32>
      %gather3A_428 = tpu.vector_load_idx %arg12[%add3A_299, %broadcast_in_dim3A_427] : memref<512x32xf32, #tpu.memory_space<vmem>>[vector<16xi32>, vector<16xi32>], vector<16xf32>,
      %gather3A_429 = tpu.vector_load_idx %arg13[%add3A_299, %broadcast_in_dim3A_427] : memref<512x32xf32, #tpu.memory_space<vmem>>[vector<16xi32>, vector<16xi32>], vector<16xf32>,
      %mul3A_430 = arith.mulf %gather3A_428, %gather3A_429 : vector<16xf32>
      %add3A_431 = arith.addf %add3A_407, %mul3A_430 : vector<16xf32>
      %broadcast_in_dim3A_432 = arith.constant 21 : i32
      %broadcast_in_dim3A_433 = vector.broadcast %broadcast_in_dim3A_432 : i32 to vector<16xi32>
      %gather3A_434 = tpu.vector_load_idx %arg12[%add3A_299, %broadcast_in_dim3A_433] : memref<512x32xf32, #tpu.memory_space<vmem>>[vector<16xi32>, vector<16xi32>], vector<16xf32>,
      %gather3A_435 = tpu.vector_load_idx %arg13[%add3A_299, %broadcast_in_dim3A_433] : memref<512x32xf32, #tpu.memory_space<vmem>>[vector<16xi32>, vector<16xi32>], vector<16xf32>,
      %mul3A_436 = arith.mulf %gather3A_434, %gather3A_435 : vector<16xf32>
      %add3A_437 = arith.addf %add3A_413, %mul3A_436 : vector<16xf32>
      %broadcast_in_dim3A_438 = arith.constant 22 : i32
      %broadcast_in_dim3A_439 = vector.broadcast %broadcast_in_dim3A_438 : i32 to vector<16xi32>
      %gather3A_440 = tpu.vector_load_idx %arg12[%add3A_299, %broadcast_in_dim3A_439] : memref<512x32xf32, #tpu.memory_space<vmem>>[vector<16xi32>, vector<16xi32>], vector<16xf32>,
      %gather3A_441 = tpu.vector_load_idx %arg13[%add3A_299, %broadcast_in_dim3A_439] : memref<512x32xf32, #tpu.memory_space<vmem>>[vector<16xi32>, vector<16xi32>], vector<16xf32>,
      %mul3A_442 = arith.mulf %gather3A_440, %gather3A_441 : vector<16xf32>
      %add3A_443 = arith.addf %add3A_419, %mul3A_442 : vector<16xf32>
      %broadcast_in_dim3A_444 = arith.constant 23 : i32
      %broadcast_in_dim3A_445 = vector.broadcast %broadcast_in_dim3A_444 : i32 to vector<16xi32>
      %gather3A_446 = tpu.vector_load_idx %arg12[%add3A_299, %broadcast_in_dim3A_445] : memref<512x32xf32, #tpu.memory_space<vmem>>[vector<16xi32>, vector<16xi32>], vector<16xf32>,
      %gather3A_447 = tpu.vector_load_idx %arg13[%add3A_299, %broadcast_in_dim3A_445] : memref<512x32xf32, #tpu.memory_space<vmem>>[vector<16xi32>, vector<16xi32>], vector<16xf32>,
      %mul3A_448 = arith.mulf %gather3A_446, %gather3A_447 : vector<16xf32>
      %add3A_449 = arith.addf %add3A_425, %mul3A_448 : vector<16xf32>
      %broadcast_in_dim3A_450 = arith.constant 24 : i32
      %broadcast_in_dim3A_451 = vector.broadcast %broadcast_in_dim3A_450 : i32 to vector<16xi32>
      %gather3A_452 = tpu.vector_load_idx %arg12[%add3A_299, %broadcast_in_dim3A_451] : memref<512x32xf32, #tpu.memory_space<vmem>>[vector<16xi32>, vector<16xi32>], vector<16xf32>,
      %gather3A_453 = tpu.vector_load_idx %arg13[%add3A_299, %broadcast_in_dim3A_451] : memref<512x32xf32, #tpu.memory_space<vmem>>[vector<16xi32>, vector<16xi32>], vector<16xf32>,
      %mul3A_454 = arith.mulf %gather3A_452, %gather3A_453 : vector<16xf32>
      %add3A_455 = arith.addf %add3A_431, %mul3A_454 : vector<16xf32>
      %broadcast_in_dim3A_456 = arith.constant 25 : i32
      %broadcast_in_dim3A_457 = vector.broadcast %broadcast_in_dim3A_456 : i32 to vector<16xi32>
      %gather3A_458 = tpu.vector_load_idx %arg12[%add3A_299, %broadcast_in_dim3A_457] : memref<512x32xf32, #tpu.memory_space<vmem>>[vector<16xi32>, vector<16xi32>], vector<16xf32>,
      %gather3A_459 = tpu.vector_load_idx %arg13[%add3A_299, %broadcast_in_dim3A_457] : memref<512x32xf32, #tpu.memory_space<vmem>>[vector<16xi32>, vector<16xi32>], vector<16xf32>,
      %mul3A_460 = arith.mulf %gather3A_458, %gather3A_459 : vector<16xf32>
      %add3A_461 = arith.addf %add3A_437, %mul3A_460 : vector<16xf32>
      %broadcast_in_dim3A_462 = arith.constant 26 : i32
      %broadcast_in_dim3A_463 = vector.broadcast %broadcast_in_dim3A_462 : i32 to vector<16xi32>
      %gather3A_464 = tpu.vector_load_idx %arg12[%add3A_299, %broadcast_in_dim3A_463] : memref<512x32xf32, #tpu.memory_space<vmem>>[vector<16xi32>, vector<16xi32>], vector<16xf32>,
      %gather3A_465 = tpu.vector_load_idx %arg13[%add3A_299, %broadcast_in_dim3A_463] : memref<512x32xf32, #tpu.memory_space<vmem>>[vector<16xi32>, vector<16xi32>], vector<16xf32>,
      %mul3A_466 = arith.mulf %gather3A_464, %gather3A_465 : vector<16xf32>
      %add3A_467 = arith.addf %add3A_443, %mul3A_466 : vector<16xf32>
      %broadcast_in_dim3A_468 = arith.constant 27 : i32
      %broadcast_in_dim3A_469 = vector.broadcast %broadcast_in_dim3A_468 : i32 to vector<16xi32>
      %gather3A_470 = tpu.vector_load_idx %arg12[%add3A_299, %broadcast_in_dim3A_469] : memref<512x32xf32, #tpu.memory_space<vmem>>[vector<16xi32>, vector<16xi32>], vector<16xf32>,
      %gather3A_471 = tpu.vector_load_idx %arg13[%add3A_299, %broadcast_in_dim3A_469] : memref<512x32xf32, #tpu.memory_space<vmem>>[vector<16xi32>, vector<16xi32>], vector<16xf32>,
      %mul3A_472 = arith.mulf %gather3A_470, %gather3A_471 : vector<16xf32>
      %add3A_473 = arith.addf %add3A_449, %mul3A_472 : vector<16xf32>
      %broadcast_in_dim3A_474 = arith.constant 28 : i32
      %broadcast_in_dim3A_475 = vector.broadcast %broadcast_in_dim3A_474 : i32 to vector<16xi32>
      %gather3A_476 = tpu.vector_load_idx %arg12[%add3A_299, %broadcast_in_dim3A_475] : memref<512x32xf32, #tpu.memory_space<vmem>>[vector<16xi32>, vector<16xi32>], vector<16xf32>,
      %gather3A_477 = tpu.vector_load_idx %arg13[%add3A_299, %broadcast_in_dim3A_475] : memref<512x32xf32, #tpu.memory_space<vmem>>[vector<16xi32>, vector<16xi32>], vector<16xf32>,
      %mul3A_478 = arith.mulf %gather3A_476, %gather3A_477 : vector<16xf32>
      %add3A_479 = arith.addf %add3A_455, %mul3A_478 : vector<16xf32>
      %broadcast_in_dim3A_480 = arith.constant 29 : i32
      %broadcast_in_dim3A_481 = vector.broadcast %broadcast_in_dim3A_480 : i32 to vector<16xi32>
      %gather3A_482 = tpu.vector_load_idx %arg12[%add3A_299, %broadcast_in_dim3A_481] : memref<512x32xf32, #tpu.memory_space<vmem>>[vector<16xi32>, vector<16xi32>], vector<16xf32>,
      %gather3A_483 = tpu.vector_load_idx %arg13[%add3A_299, %broadcast_in_dim3A_481] : memref<512x32xf32, #tpu.memory_space<vmem>>[vector<16xi32>, vector<16xi32>], vector<16xf32>,
      %mul3A_484 = arith.mulf %gather3A_482, %gather3A_483 : vector<16xf32>
      %add3A_485 = arith.addf %add3A_461, %mul3A_484 : vector<16xf32>
      %broadcast_in_dim3A_486 = arith.constant 30 : i32
      %broadcast_in_dim3A_487 = vector.broadcast %broadcast_in_dim3A_486 : i32 to vector<16xi32>
      %gather3A_488 = tpu.vector_load_idx %arg12[%add3A_299, %broadcast_in_dim3A_487] : memref<512x32xf32, #tpu.memory_space<vmem>>[vector<16xi32>, vector<16xi32>], vector<16xf32>,
      %gather3A_489 = tpu.vector_load_idx %arg13[%add3A_299, %broadcast_in_dim3A_487] : memref<512x32xf32, #tpu.memory_space<vmem>>[vector<16xi32>, vector<16xi32>], vector<16xf32>,
      %mul3A_490 = arith.mulf %gather3A_488, %gather3A_489 : vector<16xf32>
      %add3A_491 = arith.addf %add3A_467, %mul3A_490 : vector<16xf32>
      %broadcast_in_dim3A_492 = arith.constant 31 : i32
      %broadcast_in_dim3A_493 = vector.broadcast %broadcast_in_dim3A_492 : i32 to vector<16xi32>
      %gather3A_494 = tpu.vector_load_idx %arg12[%add3A_299, %broadcast_in_dim3A_493] : memref<512x32xf32, #tpu.memory_space<vmem>>[vector<16xi32>, vector<16xi32>], vector<16xf32>,
      %gather3A_495 = tpu.vector_load_idx %arg13[%add3A_299, %broadcast_in_dim3A_493] : memref<512x32xf32, #tpu.memory_space<vmem>>[vector<16xi32>, vector<16xi32>], vector<16xf32>,
      %mul3A_496 = arith.mulf %gather3A_494, %gather3A_495 : vector<16xf32>
      %add3A_497 = arith.addf %add3A_473, %mul3A_496 : vector<16xf32>
      %add3A_498 = arith.addf %add3A_479, %add3A_485 : vector<16xf32>
      %add3A_499 = arith.addf %add3A_491, %add3A_497 : vector<16xf32>
      %add3A_500 = arith.addf %add3A_498, %add3A_499 : vector<16xf32>
      %gather3A_501 = tpu.vector_load_idx %arg14[%add3A_299] : memref<512xf32, #tpu.memory_space<vmem>>[vector<16xi32>], vector<16xf32>,
      %gather3A_502 = tpu.vector_load_idx %arg15[%add3A_299] : memref<512xf32, #tpu.memory_space<vmem>>[vector<16xi32>], vector<16xf32>,
      %add3A_503 = arith.addf %add3A_500, %gather3A_501 : vector<16xf32>
      %add3A_504 = arith.addf %add3A_503, %gather3A_502 : vector<16xf32>
      %add3A_505 = arith.addf %add3A_504, %get3A_287 : vector<16xf32>
      tpu.vector_store_idx %arg17[%add3A_299], %add3A_505 : memref<512xf32, #tpu.memory_space<vmem>>[vector<16xi32>], vector<16xf32>,
    }
    %scan3A_292 = arith.constant 32 : i32
    %mul3A_293 = arith.constant 512 : i32
    %mul3A_294 = arith.muli %add3A, %mul3A_293 : i32
    "tpu.region"() ({
      %run_scoped3A = tpu.sem_alloc : memref<!tpu.dma_semaphore, #tpu.memory_space<semaphore_mem>>
      %dma_start3A_295 = tpu.memref_slice %arg9[%mul3A_294] : memref<16384xf32, #tpu.memory_space<hbm>> -> memref<512xf32, #tpu.memory_space<hbm>>
      %dma_start3A_296 = tpu.memref_slice %arg9[%mul3A_294] : memref<16384xf32, #tpu.memory_space<hbm>> -> memref<512xf32, #tpu.memory_space<hbm>>
      tpu.enqueue_dma source(%arg17 : memref<512xf32, #tpu.memory_space<vmem>>) target(%dma_start3A_296 : memref<512xf32, #tpu.memory_space<hbm>>) target_semaphore(%run_scoped3A : memref<!tpu.dma_semaphore, #tpu.memory_space<semaphore_mem>>)
      %dma_wait3A_297 = tpu.memref_slice %arg9[%mul3A_294] : memref<16384xf32, #tpu.memory_space<hbm>> -> memref<512xf32, #tpu.memory_space<hbm>>
      %dma_wait3A_298 = tpu.memref_slice %arg9[%mul3A_294] : memref<16384xf32, #tpu.memory_space<hbm>> -> memref<512xf32, #tpu.memory_space<hbm>>
      tpu.wait_dma2 semaphore(%run_scoped3A : memref<!tpu.dma_semaphore, #tpu.memory_space<semaphore_mem>>) src(%arg17 : memref<512xf32, #tpu.memory_space<vmem>>) dst(%dma_wait3A_298 : memref<512xf32, #tpu.memory_space<hbm>>)
      tpu.yield
    }) : () -> ()
    return
  }
}

</mosaic_0001>

<sc_bundles>
// kernel: kernel.3.cloned.1.call-start
scs
__scs_entry_jumppad:
0x0: {  	(pc) =	sbr.rel $0x88, $3  }
0x1: {  	(tag) =	ssettag $0x0;
	lr =	simm.s32 $0x1  }
0x2: {  	[smem:$0x3F9A] =	sst lr;
	_ =	strace $0xD0000000  }
0x3: {  	_ = 	snop  }
0x4: {  	_ = 	snop  }
0x5: {  	_ = 	snop  }
0x6: {  	_ = 	snop  }
0x7: {  	_ = 	snop  }
__scs_overlays_trampoline_lowered:
0x8: {  	[smem:$0x3FA9] =	sst s0  }
0x9: {  	[smem:$0x3FAA] =	sst s1  }
0xa: {  	[smem:$0x3FAB] =	sst s2  }
0xb: {  	[smem:$0x3FAC] =	sst s3  }
0xc: {  	[smem:$0x3FAD] =	sst s4  }
0xd: {  	[smem:$0x3FAE] =	sst s5  }
0xe: {  	[smem:$0x3FAF] =	sst s6  }
0xf: {  	[smem:$0x3FB0] =	sst s7  }
0x10: {  	[smem:$0x3FB1] =	sst s8  }
0x11: {  	[smem:$0x3FB2] =	sst s9;
	s0 =	simm.s32 @!p0 $0x0  }
0x12: {  	s1 =	sld [smem:$0x3F98];
	s0 =	simm.s32 @p0 $0x1  }
0x13: {  	[smem:$0x3FB3] =	sst s0;
	s0 =	simm.s32 @!p1 $0x0  }
0x14: {  	s2 =	sld [smem:$0x3F97];
	s0 =	simm.s32 @p1 $0x1  }
0x15: {  	[smem:$0x3FB4] =	sst s0;
	s0 =	simm.s32 @!p2 $0x0  }
0x16: {  	s3 =	sld [smem:$0x3FDB];
	s0 =	simm.s32 @p2 $0x1  }
0x17: {  	s4 =	simm.s32 $0x1BF5;
	[smem:$0x3FB6] =	sst s0  }
0x18: {  	s0 =	sld [smem:$0x3F99];
	_ =	swait.ge [sflag:s4], $0x0  }
0x19: {  	s7 =	sld [smem:$0x3F9A]  }
0x1a: {  	s8 =	sadd.s32 $0xFFFFE003, lr  }
0x1b: {  	s9 =	sadd.s32 $0xFFFFFEF7, lr;
	s5 =	simm.s32 $0xFFFFFFFF;
	p2 =	slt.u32 s8, $0xFFFFF086  }
0x1c: {  	p1 =	slt.u32 s9, $0xF7A;
	s5 =	simm.s32 @!p2 $0x0  }
0x1d: {  	s5 =	simm.s32 @p1 $0x1;
	p0 =	seq.s32 s7, s2  }
0x1e: {  	s7 =	smul.u32 @!p0 $0xF7A, s2;
	p2 =	seq.s32 @!p0 s5, $0x0  }
0x1f: {  	s9 =	smul.u32 $0xF7A, s1;
	s8 =	simm.s32 @!p0 $0x1BF5;
	p2 =	por !p2, p0  }
0x20: {  	[sflag:s8] =	ssyncset.s32 @!p0 $0xFFFFF086;
	s6 =	sadd.s32 @!p0 s3, s7;
	s7 =	simm.s32 @!p0 $0x108  }
0x21: {  	s3 =	sadd.s32 s3, s9;
	s6 =	sadd.s32 @!p0 $0x88, s6;
	s7 =	simm.s32 @p2 $0x1082  }
0x22: {  	[simem:s7], [sflag:s8] =	dma.local @!p0 [hbm:s6], $0xF7A  }
0x23: {  	s9 =	sor.u32 $0xD0000000, s2;
	s6 =	simm.s32 $0x108;
	_ =	swait.ge @!p0 [sflag:s8], $0x0  }
0x24: {  	s3 =	sadd.s32 $0x88, s3;
	s6 =	simm.s32 @!p1 $0x1082;
	[sflag:s4] =	ssyncset.s32 $0xFFFFF086  }
0x25: {  	[simem:s6], [sflag:s4] =	dma.local [hbm:s3], $0xF7A  }
0x26: {  	[smem:$0x3F9A] =	sst s1;
	(tag) =	ssettag s2;
	_ =	strace s9  }
0x27: {  	s1 =	sld [smem:$0x3FAA]  }
0x28: {  	s2 =	sld [smem:$0x3FAB]  }
0x29: {  	s4 =	sld [smem:$0x3FAD]  }
0x2a: {  	p0 =	seq.s32 s5, $0x0;
	s5 =	sld [smem:$0x3FAE]  }
0x2b: {  	s6 =	sld [smem:$0x3FAF]  }
0x2c: {  	s7 =	sld [smem:$0x3FB0]  }
0x2d: {  	s3 =	simm.s32 $0x108;
	s8 =	sld [smem:$0x3FB1]  }
0x2e: {  	s3 =	simm.s32 @!p0 $0x1082;
	s9 =	sld [smem:$0x3FB2]  }
0x2f: {  	lr =	sadd.s32 s0, s3;
	s0 =	sld [smem:$0x3FA9]  }
0x30: {  	s3 =	sld [smem:$0x3FAC]  }
0x31: {  	[smem:$0x3FB5] =	sst s10  }
0x32: {  	s10 =	sld [smem:$0x3FB3];
	_ =	sdelay $0x3  }
0x33: {  	p0 =	seq.s32 s10, $0x1;
	s10 =	sld [smem:$0x3FB5];
	_ =	sdelay $0x3  }
0x34: {  	[smem:$0x3FB5] =	sst s10  }
0x35: {  	s10 =	sld [smem:$0x3FB4];
	_ =	sdelay $0x3  }
0x36: {  	p1 =	seq.s32 s10, $0x1;
	s10 =	sld [smem:$0x3FB5];
	_ =	sdelay $0x3  }
0x37: {  	[smem:$0x3FB5] =	sst s10  }
0x38: {  	s10 =	sld [smem:$0x3FB6]  }
0x39: {  	_ = 	snop;
	(pc) =	sbr.ind lr, $3  }
0x3a: {  	_ = 	snop  }
0x3b: {  	_ = 	snop  }
0x3c: {  	p2 =	seq.s32 s10, $0x1;
	s10 =	sld [smem:$0x3FB5]  }
0x3d: {  	_ =	shalt  }
0x3e: {  	_ =	shalt  }
0x3f: {  	_ =	shalt  }
0x40: {  	_ =	shalt  }
0x41: {  	_ =	shalt  }
0x42: {  	_ =	shalt  }
0x43: {  	_ =	shalt  }
0x44: {  	_ =	shalt  }
0x45: {  	_ =	shalt  }
0x46: {  	_ =	shalt  }
0x47: {  	_ =	shalt  }
0x48: {  	_ =	shalt  }
0x49: {  	_ =	shalt  }
0x4a: {  	_ =	shalt  }
0x4b: {  	_ =	shalt  }
0x4c: {  	_ =	shalt  }
0x4d: {  	_ =	shalt  }
0x4e: {  	_ =	shalt  }
0x4f: {  	_ =	shalt  }
0x50: {  	_ =	shalt  }
0x51: {  	_ =	shalt  }
0x52: {  	_ =	shalt  }
0x53: {  	_ =	shalt  }
0x54: {  	_ =	shalt  }
0x55: {  	_ =	shalt  }
0x56: {  	_ =	shalt  }
0x57: {  	_ =	shalt  }
0x58: {  	_ =	shalt  }
0x59: {  	_ =	shalt  }
0x5a: {  	_ =	shalt  }
0x5b: {  	_ =	shalt  }
0x5c: {  	_ =	shalt  }
0x5d: {  	_ =	shalt  }
0x5e: {  	_ =	shalt  }
0x5f: {  	_ =	shalt  }
0x60: {  	_ =	shalt  }
0x61: {  	_ =	shalt  }
0x62: {  	_ =	shalt  }
0x63: {  	_ =	shalt  }
0x64: {  	_ =	shalt  }
0x65: {  	_ =	shalt  }
0x66: {  	_ =	shalt  }
0x67: {  	_ =	shalt  }
0x68: {  	_ =	shalt  }
0x69: {  	_ =	shalt  }
0x6a: {  	_ =	shalt  }
0x6b: {  	_ =	shalt  }
0x6c: {  	_ =	shalt  }
0x6d: {  	_ =	shalt  }
0x6e: {  	_ =	shalt  }
0x6f: {  	_ =	shalt  }
0x70: {  	_ =	shalt  }
0x71: {  	_ =	shalt  }
0x72: {  	_ =	shalt  }
0x73: {  	_ =	shalt  }
0x74: {  	_ =	shalt  }
0x75: {  	_ =	shalt  }
0x76: {  	_ =	shalt  }
0x77: {  	_ =	shalt  }
0x78: {  	_ =	shalt  }
0x79: {  	_ =	shalt  }
0x7a: {  	_ =	shalt  }
0x7b: {  	_ =	shalt  }
0x7c: {  	_ =	shalt  }
0x7d: {  	_ =	shalt  }
0x7e: {  	_ =	shalt  }
0x7f: {  	_ =	shalt  }
0x80: {  	_ =	shalt  }
0x81: {  	_ =	shalt  }
0x82: {  	_ =	shalt  }
0x83: {  	_ =	shalt  }
0x84: {  	_ =	shalt  }
0x85: {  	_ =	shalt  }
0x86: {  	_ =	shalt  }
0x87: {  	_ =	shalt  }
.Lfunc_end0:
.L_simem_size_0:
called_computation_lowered:
.L_overlay_start_0:
0x88: {  	s2 =	sld [smem:$0x3FD9]  }
0x89: {  	s3 =	sld [smem:$0x3FFE];
	_ =	sdelay $0x1  }
0x8a: {  	s1 =	srdreg.scid  }
0x8b: {  	s0 =	sand.u32 $0x1, s1  }
0x8c: {  	s17 =	sshll.u32 s0, $0xA;
	s2 =	sadd.s32 s3, s2  }
0x8d: {  	s2 =	sadd.s32 s2, s17  }
0x8e: {  	[smem:$0x3FC1] =	sst s2  }
0x8f: {  	_ = 	snop  }
0x90: {  	s2 =	sld [smem:$0x3FC9]  }
0x91: {  	s18 =	sld [smem:$0x3FC8]  }
0x92: {  	s4 =	sld [smem:$0x3FD0];
	(tm) =	ssettm $0x1  }
0x93: {  	s5 =	sld [smem:$0x3FFB];
	_ =	sdelay $0x3  }
0x94: {  	_ =	strace s5  }
0x95: {  	s5 =	sld [smem:$0x3FFC];
	_ =	sdelay $0x3  }
0x96: {  	_ =	strace s5  }
0x97: {  	s5 =	sld [smem:$0x3FFD];
	_ =	sdelay $0x3  }
0x98: {  	_ =	strace s5  }
0x99: {  	_ =	strace $0x8FFFFFFF  }
0x9a: {  	s19 =	sld [smem:$0x3FDB];
	_ =	sdelay $0x1  }
0x9b: {  	s6 =	simm.s32 $_scs_section_size  }
0x9c: {  	s7 =	simm.s32 $_size__tile_overlayer_lowered;
	s8 =	simm.s32 $_tile_overlayer_lowered  }
0x9d: {  	s22 =	simm.s32 $0x1BFF;
	s21 =	sshll.u32 s8, $0x1;
	s5 =	sadd.s32 s6, s19  }
0x9e: {  	s9 =	simm.s32 $0x0;
	s20 =	sshll.u32 s7, $0x1;
	s7 =	sadd.s32 s21, s5  }
0x9f: {  	[timem:s9], [sflag:s22] =	dma.local [hbm:s7], s20  }
0xa0: {  	_ =	swait.ge [sflag:s22], s20  }
0xa1: {  	s6 =	ssub.s32 $0x0, s20;
	[sflag:s22] =	ssyncset.done $0x0  }
0xa2: {  	[sflag:s22] =	ssyncadd.s32 s6;
	_ =	sdelay $0x1  }
0xa3: {  	s23 =	simm.s32 $0x1B8B  }
0xa4: {  	_ =	swait.ge [sflag:s23], $0x1  }
0xa5: {  	[sflag:s23] =	ssyncset.done $0x0  }
0xa6: {  	s25 =	simm.s32 $0x1B8E;
	s24 =	sld [smem:$0x3FFE];
	[sflag:s23] =	ssyncadd.s32 $0xFFFFFFFF  }
0xa7: {  	s26 =	simm.s32 $execute0_lowered;
	[smem:$0x3FD2] =	sst s25  }
0xa8: {  	s7 =	sshll.u32 s26, $0x1;
	_ =	strace $0x80000046;
	[dreg:$0x1] =	wrdreg $0xFFFFFFFF  }
0xa9: {  	s28 =	simm.s32 $_size_execute0_lowered;
	s5 =	sadd.s32 s5, s7;
	[dreg:$0x0] =	wrdreg $0x0  }
0xaa: {  	s7 =	sshll.u32 s28, $0x1;
	[dreg:$0x2] =	wrdreg s5  }
0xab: {  	[dreg:$0x3] =	wrdreg s7  }
0xac: {  	[dreg:$0x4] =	wrdreg $0xC0  }
0xad: {  	_ =	task [dreg:s9], $0x5FFFF  }
0xae: {  	[dreg:$0x1] =	wrdreg $0xFFFFFFFF  }
0xaf: {  	[dreg:$0x0] =	wrdreg $0x60  }
0xb0: {  	[dreg:$0x2] =	wrdreg s2  }
0xb1: {  	[dreg:$0x3] =	wrdreg s18  }
0xb2: {  	[dreg:$0x4] =	wrdreg s24  }
0xb3: {  	[dreg:$0x5] =	wrdreg s4  }
0xb4: {  	[dreg:$0x6] =	wrdreg $0x9  }
0xb5: {  	_ =	task.clear_ibuf [dreg:s9], $0x7FFFF;
	_ =	strace $0x90000046  }
0xb6: {  	s29 =	simm.s32 $0x9;
	_ =	strace $0x80000048  }
0xb7: {  	_ =	swait.ge [sflag:s29], $0x1  }
0xb8: {  	[sflag:s29] =	ssyncadd.s32 $0xFFFFFFFF  }
0xb9: {  	_ =	strace $0x90000048  }
0xba: {  	_ =	sfence  }
0xbb: {  	s30 =	sld [smem:$0x0];
	_ =	sdelay $0x2  }
0xbc: {  	s31 =	sshll.u32 s1, $0xD;
	s1 =	sshrl.u32 s1, $0x2  }
0xbd: {  	s3 =	sand.u32 $0x4000, s31;
	s1 =	sadd.s32 s1, s30  }
0xbe: {  	s0 =	sor.u32 s3, s0;
	s1 =	sshll.u32 s1, $0x11  }
0xbf: {  	s0 =	sor.u32 s1, s0  }
0xc0: {  	s0 =	sadd.s32 $0x8F2B, s0  }
0xc1: {  	[sflag:s0] =	ssyncadd.remote.s32 $0x1  }
0xc2: {  	_ =	sfence.sel $0xFFFF  }
0xc3: {  	[dreg:$0x0] =	wrdreg $0xFFFFFFFF;
	(pc) =	sbr.abs _section_cstart, $3  }
0xc4: {  	[dreg:$0x1] =	wrdreg $0xFFFFFFFF  }
0xc5: {  	_ =	task.clear_ibuf [dreg:s9], $0x2FFFF;
	_ =	strace $0x9FFFFFFF  }
0xc6: {  	(tm) =	ssettm $0x7FFFFFFF  }
0xc7: {  	_ =	shalt  }
tec
execute0_lowered:
.L_overlay_start_1:
0x0: {  	(tag) =	ssettag $0x1  }
0x1: {  	s0 =	rddreg [dreg:$0x0]  }
0x2: {  	s3 =	rddreg [dreg:$0x1]  }
0x3: {  	s1 =	rddreg [dreg:$0x2]  }
0x4: {  	s10 =	rddreg [dreg:$0x3];
	s2 =	simm.s32 $0x0  }
0x5: {  	s7 =	srdreg.scid;
	s9 =	stileid.u32;
	s13 =	simm.s32 $0x2  }
0x6: {  	s14 =	simm.s32 $0x200;
	s15 =	simm.s32 $0x80;
	s16 =	simm.s32 $0x400  }
0x7: {  	s17 =	simm.s32 $0x4400;
	s18 =	simm.s32 $0x8400;
	s19 =	simm.s32 $0x8600  }
0x8: {  	s21 =	simm.s32 $0x280;
	s25 =	simm.s32 $0x100;
	s28 =	simm.s32 $0x300  }
0x9: {  	s31 =	simm.s32 $0x8700;
	s20 =	simm.s32 $0x7400;
	s22 =	simm.s32 $0x8580  }
0xa: {  	s23 =	simm.s32 $0x8780;
	s24 =	simm.s32 $0x1;
	s26 =	simm.s32 $0x8810  }
0xb: {  	s29 =	simm.s32 $0x0;
	[smem:$0x7FF] =	sst s2;
	s4 =	sadd.s32 $0x1312E00, s1  }
0xc: {  	s5 =	sadd.s32 $0xF42400, s1;
	s6 =	sadd.s32 $0x1EA00, s1;
	s7 =	sand.u32 $0x1, s7  }
0xd: {  	s9 =	sshll.u32 s9, $0x7;
	s8 =	ssub.s32 $0x2, s7;
	s11 =	sshll.u32 s7, $0x6  }
0xe: {  	_ =	strace $0x80000047;
	s12 =	sshrl.u32 s8, $0x1;
	s11 =	sor.u32 s11, s9  }
0xf: {  	s7 =	sadd.s32 $0x3D400, s1;
	s12 =	ssub.s32 s8, s12;
	s8 =	sadd.s32 s0, s11  }
0x10: {  	v0 =	vlaneseq.u32;
	s9 =	sadd.s32 s3, s11;
	s10 =	sadd.s32 s10, s11;
	s0 =	simm.s32 $0x180  }
0x11: {  	v1 =	vor.u32 $0xFFFFFFF8, v0;
	s3 =	simm.s32 $0x3400;
	s11 =	smax.u32 s12, $0x1;
	s12 =	simm.s32 $0x380  }
.LBB2_1:
0x12: {  	s30 =	simm.s32 $0x8800  }
0x13: {  	[tilespmem:s30], [sflag:$0x2] =	stream.linear.gather [hbm4b:s7+s2], $0x10, $0x38;
	[tilespmem:$0x8A10] =	vst v63  }
0x14: {  	_ =	swait.ge [sflag:s13], $0x10  }
0x15: {  	[sflag:s13] =	ssyncset.done $0x0  }
0x16: {  	[sflag:s13] =	ssyncadd.s32 $0xFFFFFFF0  }
0x17: {  	[tilespmem:s2], [sflag:$0x2] =	stream.linear.gather [hbm4b:s8+s2], $0x200, $0x38;
	[tilespmem:$0x8A10] =	vst v63  }
0x18: {  	_ =	swait.ge [sflag:s13], $0x200  }
0x19: {  	[sflag:s13] =	ssyncset.done $0x0  }
0x1a: {  	[sflag:s13] =	ssyncadd.s32 $0xFFFFFE00  }
0x1b: {  	[tilespmem:s14], [sflag:$0x2] =	stream.linear.gather [hbm4b:s9+s2], $0x200, $0x38;
	[tilespmem:$0x8A10] =	vst v63  }
0x1c: {  	_ =	swait.ge [sflag:s13], $0x200  }
0x1d: {  	[sflag:s13] =	ssyncset.done $0x0  }
0x1e: {  	[sflag:s13] =	ssyncadd.s32 $0xFFFFFE00  }
0x1f: {  	[tilespmem:s16], [sflag:$0x1] =	stream.indirect.gather [hbm4b:s4+s15], $0x20, s2, s15, $0xb8;
	[tilespmem:$0x8A10] =	vst v63  }
0x20: {  	_ = 	snop  }
0x21: {  	[tilespmem:s17], [sflag:$0x1] =	stream.indirect.gather [hbm4b:s5+s15], $0x20, s14, s15, $0xb8;
	[tilespmem:$0x8A10] =	vst v63  }
0x22: {  	_ = 	snop  }
0x23: {  	[tilespmem:s18], [sflag:$0x1] =	stream.indirect.gather [hbm4b:s6+s15], $0x1, s2, s15, $0xb8;
	[tilespmem:$0x8A10] =	vst v63  }
0x24: {  	_ = 	snop  }
0x25: {  	[tilespmem:s19], [sflag:$0x1] =	stream.indirect.gather [hbm4b:s1+s15], $0x1, s14, s15, $0xb8;
	[tilespmem:$0x8A10] =	vst v63  }
0x26: {  	s30 =	simm.s32 $0x1400  }
0x27: {  	[tilespmem:s30], [sflag:$0x1] =	stream.indirect.gather [hbm4b:s4+s15], $0x20, s15, s15, $0xb8;
	[tilespmem:$0x8A10] =	vst v63  }
0x28: {  	s30 =	simm.s32 $0x5400  }
0x29: {  	[tilespmem:s30], [sflag:$0x1] =	stream.indirect.gather [hbm4b:s5+s15], $0x20, s21, s15, $0xb8;
	[tilespmem:$0x8A10] =	vst v63  }
0x2a: {  	s30 =	simm.s32 $0x8480  }
0x2b: {  	[tilespmem:s30], [sflag:$0x1] =	stream.indirect.gather [hbm4b:s6+s15], $0x1, s15, s15, $0xb8;
	[tilespmem:$0x8A10] =	vst v63  }
0x2c: {  	s30 =	simm.s32 $0x8680  }
0x2d: {  	[tilespmem:s30], [sflag:$0x1] =	stream.indirect.gather [hbm4b:s1+s15], $0x1, s21, s15, $0xb8;
	[tilespmem:$0x8A10] =	vst v63  }
0x2e: {  	s30 =	simm.s32 $0x2400  }
0x2f: {  	[tilespmem:s30], [sflag:$0x1] =	stream.indirect.gather [hbm4b:s4+s15], $0x20, s25, s15, $0xb8;
	[tilespmem:$0x8A10] =	vst v63  }
0x30: {  	s30 =	simm.s32 $0x6400  }
0x31: {  	[tilespmem:s30], [sflag:$0x1] =	stream.indirect.gather [hbm4b:s5+s15], $0x20, s28, s15, $0xb8;
	[tilespmem:$0x8A10] =	vst v63  }
0x32: {  	s30 =	simm.s32 $0x8500  }
0x33: {  	[tilespmem:s30], [sflag:$0x1] =	stream.indirect.gather [hbm4b:s6+s15], $0x1, s25, s15, $0xb8;
	[tilespmem:$0x8A10] =	vst v63  }
0x34: {  	_ = 	snop  }
0x35: {  	[tilespmem:s31], [sflag:$0x1] =	stream.indirect.gather [hbm4b:s1+s15], $0x1, s28, s15, $0xb8;
	[tilespmem:$0x8A10] =	vst v63  }
0x36: {  	_ = 	snop  }
0x37: {  	[tilespmem:s3], [sflag:$0x1] =	stream.indirect.gather [hbm4b:s4+s15], $0x20, s0, s15, $0xb8;
	[tilespmem:$0x8A10] =	vst v63  }
0x38: {  	_ = 	snop  }
0x39: {  	[tilespmem:s20], [sflag:$0x1] =	stream.indirect.gather [hbm4b:s5+s15], $0x20, s12, s15, $0xb8;
	[tilespmem:$0x8A10] =	vst v63  }
0x3a: {  	_ = 	snop  }
0x3b: {  	[tilespmem:s22], [sflag:$0x1] =	stream.indirect.gather [hbm4b:s6+s15], $0x1, s0, s15, $0xb8;
	[tilespmem:$0x8A10] =	vst v63  }
0x3c: {  	_ = 	snop  }
0x3d: {  	[tilespmem:s23], [sflag:$0x1] =	stream.indirect.gather [hbm4b:s1+s15], $0x1, s12, s15, $0xb8;
	[tilespmem:$0x8A10] =	vst v63  }
0x3e: {  	_ =	swait.ge [sflag:s24], $0x1000  }
0x3f: {  	[sflag:s24] =	ssyncset.done $0x0  }
0x40: {  	[sflag:s24] =	ssyncadd.s32 $0xFFFFF000  }
0x41: {  	_ =	swait.ge [sflag:s24], $0x1000  }
0x42: {  	[sflag:s24] =	ssyncset.done $0x0  }
0x43: {  	[sflag:s24] =	ssyncadd.s32 $0xFFFFF000  }
0x44: {  	_ =	swait.ge [sflag:s24], $0x80  }
0x45: {  	[sflag:s24] =	ssyncset.done $0x0  }
0x46: {  	[sflag:s24] =	ssyncadd.s32 $0xFFFFFF80  }
0x47: {  	_ =	swait.ge [sflag:s24], $0x80  }
0x48: {  	[sflag:s24] =	ssyncset.done $0x0  }
0x49: {  	[sflag:s24] =	ssyncadd.s32 $0xFFFFFF80  }
0x4a: {  	_ =	swait.ge [sflag:s24], $0x1000  }
0x4b: {  	[sflag:s24] =	ssyncset.done $0x0  }
0x4c: {  	[sflag:s24] =	ssyncadd.s32 $0xFFFFF000  }
0x4d: {  	_ =	swait.ge [sflag:s24], $0x1000  }
0x4e: {  	[sflag:s24] =	ssyncset.done $0x0  }
0x4f: {  	[sflag:s24] =	ssyncadd.s32 $0xFFFFF000  }
0x50: {  	_ =	swait.ge [sflag:s24], $0x80  }
0x51: {  	[sflag:s24] =	ssyncset.done $0x0  }
0x52: {  	[sflag:s24] =	ssyncadd.s32 $0xFFFFFF80  }
0x53: {  	_ =	swait.ge [sflag:s24], $0x80  }
0x54: {  	[sflag:s24] =	ssyncset.done $0x0  }
0x55: {  	[sflag:s24] =	ssyncadd.s32 $0xFFFFFF80  }
0x56: {  	_ =	swait.ge [sflag:s24], $0x1000  }
0x57: {  	[sflag:s24] =	ssyncset.done $0x0  }
0x58: {  	[sflag:s24] =	ssyncadd.s32 $0xFFFFF000  }
0x59: {  	_ =	swait.ge [sflag:s24], $0x1000  }
0x5a: {  	[sflag:s24] =	ssyncset.done $0x0  }
0x5b: {  	[sflag:s24] =	ssyncadd.s32 $0xFFFFF000  }
0x5c: {  	_ =	swait.ge [sflag:s24], $0x80  }
0x5d: {  	[sflag:s24] =	ssyncset.done $0x0  }
0x5e: {  	[sflag:s24] =	ssyncadd.s32 $0xFFFFFF80  }
0x5f: {  	_ =	swait.ge [sflag:s24], $0x80  }
0x60: {  	[sflag:s24] =	ssyncset.done $0x0  }
0x61: {  	[sflag:s24] =	ssyncadd.s32 $0xFFFFFF80  }
0x62: {  	_ =	swait.ge [sflag:s24], $0x1000  }
0x63: {  	[sflag:s24] =	ssyncset.done $0x0  }
0x64: {  	[sflag:s24] =	ssyncadd.s32 $0xFFFFF000  }
0x65: {  	_ =	swait.ge [sflag:s24], $0x1000  }
0x66: {  	[sflag:s24] =	ssyncset.done $0x0  }
0x67: {  	[sflag:s24] =	ssyncadd.s32 $0xFFFFF000  }
0x68: {  	v10 =	vor.u32 s2, v0;
	_ =	swait.ge [sflag:s24], $0x80  }
0x69: {  	v7 =	vshll.u32 v10, $0x5;
	[sflag:s24] =	ssyncset.done $0x0  }
0x6a: {  	v3 =	vor.u32 $0x1C, v7;
	[sflag:s24] =	ssyncadd.s32 $0xFFFFFF80  }
0x6b: {  	_ =	swait.ge [sflag:s24], $0x80  }
0x6c: {  	v4 =	vor.u32 $0x1D, v7;
	[sflag:s24] =	ssyncset.done $0x0  }
0x6d: {  	[sflag:s24] =	ssyncadd.s32 $0xFFFFFF80  }
0x6e: {  	v5 =	vor.u32 $0x1E, v7;
	v2 =	vld [tilespmem:$0x8800]  }
0x6f: {  	v14 =	vld.idx.msk [tilespmem:v3+s16+$0x0], $0xffff  }
0x70: {  	v6 =	vor.u32 $0x18, v7;
	v16 =	vld.idx.msk [tilespmem:v3+s17+$0x0], $0xffff  }
0x71: {  	v17 =	vld.idx.msk [tilespmem:v4+s16+$0x0], $0xffff  }
0x72: {  	v8 =	vor.u32 $0x19, v7;
	v18 =	vld.idx.msk [tilespmem:v4+s17+$0x0], $0xffff  }
0x73: {  	v3 =	vld.idx.msk [tilespmem:v5+s16+$0x0], $0xffff  }
0x74: {  	v9 =	vor.u32 $0x1A, v7;
	v4 =	vld.idx.msk [tilespmem:v5+s17+$0x0], $0xffff  }
0x75: {  	v19 =	vld.idx.msk [tilespmem:v6+s16+$0x0], $0xffff  }
0x76: {  	v11 =	vor.u32 $0x14, v7;
	v20 =	vld.idx.msk [tilespmem:v6+s17+$0x0], $0xffff  }
0x77: {  	v21 =	vld.idx.msk [tilespmem:v8+s16+$0x0], $0xffff  }
0x78: {  	v12 =	vor.u32 $0x15, v7;
	v22 =	vld.idx.msk [tilespmem:v8+s17+$0x0], $0xffff  }
0x79: {  	v5 =	vld.idx.msk [tilespmem:v9+s16+$0x0], $0xffff  }
0x7a: {  	v13 =	vor.u32 $0x16, v7;
	v6 =	vld.idx.msk [tilespmem:v9+s17+$0x0], $0xffff  }
0x7b: {  	v23 =	vld.idx.msk [tilespmem:v11+s16+$0x0], $0xffff  }
0x7c: {  	v15 =	vor.u32 $0x10, v7;
	v24 =	vld.idx.msk [tilespmem:v11+s17+$0x0], $0xffff  }
0x7d: {  	v25 =	vld.idx.msk [tilespmem:v12+s16+$0x0], $0xffff  }
0x7e: {  	v28 =	vor.u32 $0x8, v7;
	v27 =	vld.idx.msk [tilespmem:v12+s17+$0x0], $0xffff  }
0x7f: {  	v8 =	vld.idx.msk [tilespmem:v13+s16+$0x0], $0xffff  }
0x80: {  	v37 =	vor.u32 $0x9, v7;
	v9 =	vld.idx.msk [tilespmem:v13+s17+$0x0], $0xffff  }
0x81: {  	v29 =	vld.idx.msk [tilespmem:v15+s16+$0x0], $0xffff  }
0x82: {  	v39 =	vor.u32 $0xA, v7;
	v30 =	vld.idx.msk [tilespmem:v15+s17+$0x0], $0xffff  }
0x83: {  	v44 =	vor.u32 $0x4, v7;
	v38 =	vld.idx.msk [tilespmem:v28+s16+$0x0], $0xffff  }
0x84: {  	v40 =	vld.idx.msk [tilespmem:v28+s17+$0x0], $0xffff  }
0x85: {  	v46 =	vor.u32 $0x5, v7;
	v41 =	vld.idx.msk [tilespmem:v37+s16+$0x0], $0xffff  }
0x86: {  	v42 =	vld.idx.msk [tilespmem:v37+s17+$0x0], $0xffff  }
0x87: {  	v47 =	vor.u32 $0x6, v7;
	v28 =	vld.idx.msk [tilespmem:v39+s17+$0x0], $0xffff  }
0x88: {  	v11 =	vor.u32 $0x11, v7;
	v43 =	vld.idx.msk [tilespmem:v44+s16+$0x0], $0xffff  }
0x89: {  	v44 =	vld.idx.msk [tilespmem:v44+s17+$0x0], $0xffff  }
0x8a: {  	v12 =	vor.u32 $0x12, v7;
	v45 =	vld.idx.msk [tilespmem:v46+s16+$0x0], $0xffff  }
0x8b: {  	v46 =	vld.idx.msk [tilespmem:v46+s17+$0x0], $0xffff  }
0x8c: {  	v13 =	vor.u32 $0xC, v7;
	v37 =	vld.idx.msk [tilespmem:v47+s16+$0x0], $0xffff  }
0x8d: {  	v31 =	vld.idx.msk [tilespmem:v11+s16+$0x0], $0xffff  }
0x8e: {  	v15 =	vor.u32 $0xD, v7;
	v32 =	vld.idx.msk [tilespmem:v11+s17+$0x0], $0xffff  }
0x8f: {  	v11 =	vld.idx.msk [tilespmem:v12+s16+$0x0], $0xffff  }
0x90: {  	v26 =	vor.u32 $0xE, v7;
	v12 =	vld.idx.msk [tilespmem:v12+s17+$0x0], $0xffff  }
0x91: {  	v33 =	vld.idx.msk [tilespmem:v13+s16+$0x0], $0xffff  }
0x92: {  	v34 =	vld.idx.msk [tilespmem:v13+s17+$0x0], $0xffff  }
0x93: {  	v35 =	vld.idx.msk [tilespmem:v15+s16+$0x0], $0xffff  }
0x94: {  	v36 =	vld.idx.msk [tilespmem:v15+s17+$0x0], $0xffff  }
0x95: {  	v13 =	vld.idx.msk [tilespmem:v26+s16+$0x0], $0xffff  }
0x96: {  	v49 =	vor.u32 $0x1, v7;
	v15 =	vld.idx.msk [tilespmem:v26+s17+$0x0], $0xffff  }
0x97: {  	v26 =	vld.idx.msk [tilespmem:v39+s16+$0x0], $0xffff  }
0x98: {  	v48 =	vor.u32 $0x2, v7;
	v39 =	vld.idx.msk [tilespmem:v47+s17+$0x0], $0xffff  }
0x99: {  	s30 =	simm.s32 $0x10;
	v47 =	vld.idx.msk [tilespmem:v7+s17+$0x0], $0xffff  }
.LBB2_2:
0x9a: {  	p0 =	sne.s32 s30, $0x1F0;
	v50 =	vld.idx.msk [tilespmem:v7+s16+$0x0], $0xffff;
	v51 =	vor.u32 $0x3, v7  }
0x9b: {  	v52 =	vld.idx.msk [tilespmem:v49+s16+$0x0], $0xffff  }
0x9c: {  	v53 =	vor.u32 $0x7, v7;
	v49 =	vld.idx.msk [tilespmem:v49+s17+$0x0], $0xffff  }
0x9d: {  	v54 =	vld.idx.msk [tilespmem:v48+s16+$0x0], $0xffff  }
0x9e: {  	v55 =	vor.u32 $0xB, v7;
	v14 =	vmul.f32 v16, v14;
	v16 =	vmul.f32 v18, v17;
	v48 =	vld.idx.msk [tilespmem:v48+s17+$0x0], $0xffff  }
0x9f: {  	v18 =	vmul.f32 v20, v19;
	v19 =	vmul.f32 v22, v21;
	v17 =	vld.idx.msk [tilespmem:v51+s16+$0x0], $0xffff  }
0xa0: {  	v21 =	vor.u32 $0xF, v7;
	v22 =	vmul.f32 v24, v23;
	v23 =	vmul.f32 v27, v25;
	v20 =	vld.idx.msk [tilespmem:v51+s17+$0x0], $0xffff  }
0xa1: {  	v25 =	vmul.f32 v30, v29;
	v27 =	vmul.f32 v32, v31;
	v24 =	vld.idx.msk [tilespmem:v53+s16+$0x0], $0xffff  }
0xa2: {  	v30 =	vmul.f32 v34, v33;
	v31 =	vmul.f32 v36, v35;
	v32 =	vor.u32 $0x13, v7;
	v29 =	vld.idx.msk [tilespmem:v53+s17+$0x0], $0xffff  }
0xa3: {  	v33 =	vmul.f32 v40, v38;
	v34 =	vmul.f32 v42, v41;
	v36 =	vand.u32 v1, v10;
	v35 =	vld.idx.msk [tilespmem:v55+s16+$0x0], $0xffff  }
0xa4: {  	v10 =	vmul.f32 v44, v43;
	v41 =	vor.u32 $0x17, v7;
	v38 =	vmul.f32 v46, v45;
	v40 =	vld.idx.msk [tilespmem:v55+s17+$0x0], $0xffff  }
0xa5: {  	v45 =	vor.u32 $0x1F, v7;
	v42 =	vmul.f32 v47, v50;
	v43 =	vmul.f32 v49, v52;
	v44 =	vld.idx.msk [tilespmem:v21+s16+$0x0], $0xffff  }
0xa6: {  	v7 =	vor.u32 $0x1B, v7;
	v46 =	vmul.f32 v48, v54;
	v17 =	vmul.f32 v20, v17;
	v20 =	vld.idx.msk [tilespmem:v21+s17+$0x0], $0xffff  }
0xa7: {  	v37 =	vmul.f32 v39, v37;
	v21 =	vadd.f32 $0.0e+00, v42;
	v42 =	vadd.f32 $0.0e+00, v43;
	v39 =	vld.idx.msk [tilespmem:v32+s16+$0x0], $0xffff  }
0xa8: {  	v43 =	vadd.f32 $0.0e+00, v46;
	v17 =	vadd.f32 $0.0e+00, v17;
	v24 =	vmul.f32 v29, v24;
	v29 =	vld.idx.msk [tilespmem:v32+s17+$0x0], $0xffff  }
0xa9: {  	v26 =	vmul.f32 v28, v26;
	v10 =	vadd.f32 v10, v21;
	v21 =	vadd.f32 v38, v42;
	v28 =	vld.idx.msk [tilespmem:v41+s16+$0x0], $0xffff  }
0xaa: {  	v32 =	vadd.f32 v37, v43;
	v17 =	vadd.f32 v24, v17;
	v24 =	vmul.f32 v40, v35;
	v35 =	vld.idx.msk [tilespmem:v41+s17+$0x0], $0xffff  }
0xab: {  	v13 =	vmul.f32 v15, v13;
	v10 =	vadd.f32 v33, v10;
	v21 =	vadd.f32 v34, v21;
	v15 =	vld.idx.msk [tilespmem:v7+s16+$0x0], $0xffff  }
0xac: {  	v26 =	vadd.f32 v26, v32;
	v17 =	vadd.f32 v24, v17;
	v20 =	vmul.f32 v20, v44;
	v7 =	vld.idx.msk [tilespmem:v7+s17+$0x0], $0xffff  }
0xad: {  	v11 =	vmul.f32 v12, v11;
	v10 =	vadd.f32 v30, v10;
	v21 =	vadd.f32 v31, v21;
	v12 =	vld.idx.msk [tilespmem:v45+s16+$0x0], $0xffff  }
0xae: {  	v13 =	vadd.f32 v13, v26;
	v17 =	vadd.f32 v20, v17;
	v20 =	vmul.f32 v29, v39;
	v24 =	vld.idx.msk [tilespmem:v45+s17+$0x0], $0xffff  }
0xaf: {  	v8 =	vmul.f32 v9, v8;
	v10 =	vadd.f32 v25, v10;
	v21 =	vadd.f32 v27, v21  }
0xb0: {  	v9 =	vadd.f32 v11, v13;
	v11 =	vadd.f32 v20, v17;
	v13 =	vmul.f32 v35, v28  }
0xb1: {  	v5 =	vmul.f32 v6, v5;
	v10 =	vadd.f32 v22, v10;
	v17 =	vadd.f32 v23, v21  }
0xb2: {  	v6 =	vadd.f32 v8, v9;
	v8 =	vadd.f32 v13, v11;
	v7 =	vmul.f32 v7, v15  }
0xb3: {  	v3 =	vmul.f32 v4, v3;
	v9 =	vadd.f32 v18, v10;
	v10 =	vadd.f32 v19, v17  }
0xb4: {  	v4 =	vadd.f32 v5, v6;
	v5 =	vadd.f32 v7, v8;
	v6 =	vmul.f32 v24, v12  }
0xb5: {  	v7 =	vadd.f32 v14, v9;
	v8 =	vadd.f32 v16, v10  }
0xb6: {  	v3 =	vadd.f32 v3, v4;
	v4 =	vadd.f32 v6, v5;
	v5 =	vld.idx.msk [tilespmem:v36+s18+$0x0], $0xffff;
	_ =	sdelay $0x1  }
0xb7: {  	v6 =	vadd.f32 v8, v7;
	v3 =	vadd.f32 v4, v3;
	v4 =	vld.idx.msk [tilespmem:v36+s19+$0x0], $0xffff;
	_ =	sdelay $0x1  }
0xb8: {  	v3 =	vadd.f32 v3, v6;
	_ =	sdelay $0x1  }
0xb9: {  	v10 =	vor.u32 s30, v0;
	v3 =	vadd.f32 v3, v5  }
0xba: {  	v7 =	vshll.u32 v10, $0x5  }
0xbb: {  	v5 =	vor.u32 $0x1C, v7;
	v3 =	vadd.f32 v3, v4;
	_ =	sdelay $0x1  }
0xbc: {  	v4 =	vor.u32 $0x1D, v7;
	v3 =	vadd.f32 v3, v2;
	_ =	sdelay $0x1  }
0xbd: {  	v6 =	vor.u32 $0x1E, v7;
	[tilespmem:v36+s26+$0x0] =	vst.idx.msk $0xffff, v3  }
0xbe: {  	v14 =	vld.idx.msk [tilespmem:v5+s16+$0x0], $0xffff  }
0xbf: {  	v8 =	vor.u32 $0x18, v7;
	v16 =	vld.idx.msk [tilespmem:v5+s17+$0x0], $0xffff  }
0xc0: {  	v17 =	vld.idx.msk [tilespmem:v4+s16+$0x0], $0xffff  }
0xc1: {  	v5 =	vor.u32 $0x19, v7;
	v18 =	vld.idx.msk [tilespmem:v4+s17+$0x0], $0xffff  }
0xc2: {  	v3 =	vld.idx.msk [tilespmem:v6+s16+$0x0], $0xffff  }
0xc3: {  	v9 =	vor.u32 $0x1A, v7;
	v4 =	vld.idx.msk [tilespmem:v6+s17+$0x0], $0xffff  }
0xc4: {  	v19 =	vld.idx.msk [tilespmem:v8+s16+$0x0], $0xffff  }
0xc5: {  	v11 =	vor.u32 $0x14, v7;
	v20 =	vld.idx.msk [tilespmem:v8+s17+$0x0], $0xffff  }
0xc6: {  	v21 =	vld.idx.msk [tilespmem:v5+s16+$0x0], $0xffff  }
0xc7: {  	v8 =	vor.u32 $0x15, v7;
	v22 =	vld.idx.msk [tilespmem:v5+s17+$0x0], $0xffff  }
0xc8: {  	v5 =	vld.idx.msk [tilespmem:v9+s16+$0x0], $0xffff  }
0xc9: {  	v12 =	vor.u32 $0x16, v7;
	v6 =	vld.idx.msk [tilespmem:v9+s17+$0x0], $0xffff  }
0xca: {  	v23 =	vld.idx.msk [tilespmem:v11+s16+$0x0], $0xffff  }
0xcb: {  	v13 =	vor.u32 $0x10, v7;
	v24 =	vld.idx.msk [tilespmem:v11+s17+$0x0], $0xffff  }
0xcc: {  	v25 =	vld.idx.msk [tilespmem:v8+s16+$0x0], $0xffff  }
0xcd: {  	v11 =	vor.u32 $0x11, v7;
	v27 =	vld.idx.msk [tilespmem:v8+s17+$0x0], $0xffff  }
0xce: {  	v8 =	vld.idx.msk [tilespmem:v12+s16+$0x0], $0xffff  }
0xcf: {  	v15 =	vor.u32 $0x12, v7;
	v9 =	vld.idx.msk [tilespmem:v12+s17+$0x0], $0xffff  }
0xd0: {  	v29 =	vld.idx.msk [tilespmem:v13+s16+$0x0], $0xffff  }
0xd1: {  	v26 =	vor.u32 $0xC, v7;
	v30 =	vld.idx.msk [tilespmem:v13+s17+$0x0], $0xffff  }
0xd2: {  	v31 =	vld.idx.msk [tilespmem:v11+s16+$0x0], $0xffff  }
0xd3: {  	v13 =	vor.u32 $0xD, v7;
	v32 =	vld.idx.msk [tilespmem:v11+s17+$0x0], $0xffff  }
0xd4: {  	v11 =	vld.idx.msk [tilespmem:v15+s16+$0x0], $0xffff  }
0xd5: {  	v28 =	vor.u32 $0xE, v7;
	v12 =	vld.idx.msk [tilespmem:v15+s17+$0x0], $0xffff  }
0xd6: {  	v33 =	vld.idx.msk [tilespmem:v26+s16+$0x0], $0xffff  }
0xd7: {  	v37 =	vor.u32 $0x8, v7;
	v34 =	vld.idx.msk [tilespmem:v26+s17+$0x0], $0xffff  }
0xd8: {  	v35 =	vld.idx.msk [tilespmem:v13+s16+$0x0], $0xffff  }
0xd9: {  	v26 =	vor.u32 $0x9, v7;
	v36 =	vld.idx.msk [tilespmem:v13+s17+$0x0], $0xffff  }
0xda: {  	v13 =	vld.idx.msk [tilespmem:v28+s16+$0x0], $0xffff  }
0xdb: {  	v39 =	vor.u32 $0xA, v7;
	v15 =	vld.idx.msk [tilespmem:v28+s17+$0x0], $0xffff  }
0xdc: {  	v38 =	vld.idx.msk [tilespmem:v37+s16+$0x0], $0xffff  }
0xdd: {  	v44 =	vor.u32 $0x4, v7;
	v40 =	vld.idx.msk [tilespmem:v37+s17+$0x0], $0xffff  }
0xde: {  	v41 =	vld.idx.msk [tilespmem:v26+s16+$0x0], $0xffff  }
0xdf: {  	v37 =	vor.u32 $0x5, v7;
	v42 =	vld.idx.msk [tilespmem:v26+s17+$0x0], $0xffff  }
0xe0: {  	v26 =	vld.idx.msk [tilespmem:v39+s16+$0x0], $0xffff  }
0xe1: {  	v47 =	vor.u32 $0x6, v7;
	v28 =	vld.idx.msk [tilespmem:v39+s17+$0x0], $0xffff  }
0xe2: {  	v43 =	vld.idx.msk [tilespmem:v44+s16+$0x0], $0xffff  }
0xe3: {  	v44 =	vld.idx.msk [tilespmem:v44+s17+$0x0], $0xffff  }
.Ltmp0:
0xe4: {  	v45 =	vld.idx.msk [tilespmem:v37+s16+$0x0], $0xffff;
	(pc) =	sbr.rel @p0 .LBB2_2-.Ltmp0, $4  }
0xe5: {  	v49 =	vor.u32 $0x1, v7;
	v46 =	vld.idx.msk [tilespmem:v37+s17+$0x0], $0xffff  }
0xe6: {  	v37 =	vld.idx.msk [tilespmem:v47+s16+$0x0], $0xffff  }
0xe7: {  	v48 =	vor.u32 $0x2, v7;
	v39 =	vld.idx.msk [tilespmem:v47+s17+$0x0], $0xffff  }
0xe8: {  	s30 =	sadd.s32 $0x10, s30;
	v47 =	vld.idx.msk [tilespmem:v7+s17+$0x0], $0xffff  }
0xe9: {  	_ =	sdelay $0x3  }
0xea: {  	v50 =	vld.idx.msk [tilespmem:v7+s16+$0x0], $0xffff;
	v51 =	vor.u32 $0x3, v7  }
0xeb: {  	v52 =	vld.idx.msk [tilespmem:v49+s16+$0x0], $0xffff  }
0xec: {  	v49 =	vld.idx.msk [tilespmem:v49+s17+$0x0], $0xffff;
	v53 =	vor.u32 $0x7, v7;
	v14 =	vmul.f32 v16, v14;
	v16 =	vmul.f32 v18, v17  }
0xed: {  	v54 =	vld.idx.msk [tilespmem:v48+s16+$0x0], $0xffff;
	v19 =	vmul.f32 v20, v19;
	v20 =	vmul.f32 v22, v21  }
0xee: {  	v56 =	vld.idx.msk [tilespmem:v48+s17+$0x0], $0xffff;
	v57 =	vor.u32 $0xB, v7;
	v22 =	vmul.f32 v24, v23;
	v23 =	vmul.f32 v27, v25  }
0xef: {  	v27 =	vmul.f32 v30, v29;
	v29 =	vmul.f32 v32, v31;
	v58 =	vld.idx.msk [tilespmem:v51+s16+$0x0], $0xffff  }
0xf0: {  	v60 =	vor.u32 $0xF, v7;
	v31 =	vmul.f32 v34, v33;
	v32 =	vmul.f32 v36, v35;
	v59 =	vld.idx.msk [tilespmem:v51+s17+$0x0], $0xffff  }
0xf1: {  	v35 =	vmul.f32 v40, v38;
	v36 =	vmul.f32 v42, v41;
	v30 =	vld.idx.msk [tilespmem:v53+s16+$0x0], $0xffff  }
0xf2: {  	v33 =	vor.u32 $0x13, v7;
	v62 =	vmul.f32 v44, v43;
	v26 =	vmul.f32 v28, v26;
	v61 =	vld.idx.msk [tilespmem:v53+s17+$0x0], $0xffff  }
0xf3: {  	v63 =	vmul.f32 v46, v45;
	v37 =	vmul.f32 v39, v37;
	v38 =	vld.idx.msk [tilespmem:v57+s16+$0x0], $0xffff  }
0xf4: {  	v48 =	vor.u32 $0x17, v7;
	v18 =	vld.idx.msk [tilespmem:v57+s17+$0x0], $0xffff;
	v51 =	vmul.f32 v47, v50;
	v17 =	vmul.f32 v56, v54  }
0xf5: {  	v10 =	vand.u32 v1, v10;
	v52 =	vmul.f32 v49, v52;
	v55 =	vld.idx.msk [tilespmem:v60+s16+$0x0], $0xffff;
	v21 =	vmul.f32 v59, v58  }
0xf6: {  	v56 =	vor.u32 $0x1B, v7;
	v57 =	vld.idx.msk [tilespmem:v60+s17+$0x0], $0xffff;
	v17 =	vadd.f32 $0.0e+00, v17;
	v58 =	vadd.f32 $0.0e+00, v51  }
0xf7: {  	v60 =	vld.idx.msk [tilespmem:v33+s16+$0x0], $0xffff;
	v59 =	vadd.f32 $0.0e+00, v52;
	v30 =	vmul.f32 v61, v30;
	v21 =	vadd.f32 $0.0e+00, v21  }
0xf8: {  	v53 =	vor.u32 $0x1F, v7;
	v33 =	vld.idx.msk [tilespmem:v33+s17+$0x0], $0xffff;
	v17 =	vadd.f32 v37, v17;
	v25 =	vadd.f32 v62, v58  }
0xf9: {  	v18 =	vmul.f32 v18, v38;
	v61 =	vadd.f32 v63, v59;
	v62 =	vld.idx.msk [tilespmem:v48+s16+$0x0], $0xffff;
	v21 =	vadd.f32 v30, v21  }
0xfa: {  	v13 =	vmul.f32 v15, v13;
	v17 =	vadd.f32 v26, v17;
	v63 =	vld.idx.msk [tilespmem:v48+s17+$0x0], $0xffff;
	v25 =	vadd.f32 v35, v25  }
0xfb: {  	v37 =	vld.idx.msk [tilespmem:v56+s16+$0x0], $0xffff;
	v38 =	vmul.f32 v57, v55;
	v34 =	vadd.f32 v36, v61;
	v18 =	vadd.f32 v18, v21  }
0xfc: {  	v11 =	vmul.f32 v12, v11;
	v7 =	vld.idx.msk [tilespmem:v56+s17+$0x0], $0xffff;
	v13 =	vadd.f32 v13, v17;
	v40 =	vadd.f32 v31, v25  }
0xfd: {  	v42 =	vld.idx.msk [tilespmem:v53+s16+$0x0], $0xffff;
	v44 =	vmul.f32 v33, v60;
	v41 =	vadd.f32 v32, v34;
	v43 =	vadd.f32 v38, v18  }
0xfe: {  	v8 =	vmul.f32 v9, v8;
	v45 =	vld.idx.msk [tilespmem:v53+s17+$0x0], $0xffff;
	v46 =	vadd.f32 v11, v13;
	v24 =	vadd.f32 v27, v40  }
0xff: {  	v48 =	vmul.f32 v63, v62;
	v25 =	vadd.f32 v29, v41;
	v47 =	vadd.f32 v44, v43  }
0x100: {  	v5 =	vmul.f32 v6, v5;
	v51 =	vadd.f32 v8, v46;
	v49 =	vadd.f32 v22, v24  }
0x101: {  	v7 =	vmul.f32 v7, v37;
	v50 =	vadd.f32 v23, v25;
	v52 =	vadd.f32 v48, v47  }
0x102: {  	v3 =	vmul.f32 v4, v3;
	v55 =	vadd.f32 v5, v51;
	v53 =	vadd.f32 v19, v49  }
0x103: {  	v57 =	vmul.f32 v45, v42;
	v54 =	vadd.f32 v20, v50;
	v56 =	vadd.f32 v7, v52  }
0x104: {  	v3 =	vadd.f32 v3, v55;
	v58 =	vadd.f32 v14, v53  }
0x105: {  	v59 =	vadd.f32 v16, v54;
	v60 =	vadd.f32 v57, v56  }
0x106: {  	v61 =	vld.idx.msk [tilespmem:v10+s18+$0x0], $0xffff  }
0x107: {  	v62 =	vadd.f32 v59, v58;
	v3 =	vadd.f32 v60, v3  }
0x108: {  	v63 =	vld.idx.msk [tilespmem:v10+s19+$0x0], $0xffff  }
0x109: {  	v3 =	vadd.f32 v3, v62;
	_ =	sdelay $0x1  }
0x10a: {  	v3 =	vadd.f32 v3, v61;
	_ =	sdelay $0x1  }
0x10b: {  	v3 =	vadd.f32 v3, v63;
	_ =	sdelay $0x1  }
0x10c: {  	s29 =	sadd.s32 $0x1, s29;
	v2 =	vadd.f32 v3, v2  }
0x10d: {  	p0 =	sne.s32 s29, s11  }
.Ltmp1:
0x10e: {  	[tilespmem:v10+s26+$0x0] =	vst.idx.msk $0xffff, v2;
	(pc) =	sbr.rel @p0 .LBB2_1-.Ltmp1, $4  }
0x10f: {  	[hbm4b:s10+s2] =	stream.linear.scatter [tilespmem:s26], [sflag:$0x2], $0x200, $0x38;
	[tilespmem:$0x8A10] =	vst v63  }
0x110: {  	_ =	swait.ge [sflag:s13], $0x200  }
0x111: {  	[sflag:s13] =	ssyncset.done $0x0  }
0x112: {  	[sflag:s13] =	ssyncadd.s32 $0xFFFFFE00  }
0x113: {  	_ =	sfence.sel $0x180000  }
0x114: {  	[bflag:$0x0] =	sbarrier.arrive $0xFFFF  }
0x115: {  	_ =	strace $0x90000047  }
0x116: {  	s0 =	stileid.u32;
	[bflag:$0x2] =	sbarrier.arrive $0xFFFF  }
0x117: {  	p0 =	sne.s32 s0, $0x0;
	s0 =	rddreg [dreg:$0x4]  }
0x118: {  	s0 =	sadd.s32 @!p0 $0x100000, s0  }
0x119: {  	[sflag:s0] =	ssyncadd.tile.s32 @!p0 $0x1;
	_ =	shalt  }
.Lfunc_end2:
_tile_overlayer_lowered:
.L_overlay_start_2:
0x11a: {  	(tag) =	ssettag $0x2  }
0x11b: {  	s0 =	rddreg [dreg:$0x0];
	s2 =	stileid.u32  }
0x11c: {  	s1 =	rddreg [dreg:$0x1];
	p0 =	sne.s32 s2, $0x0  }
0x11d: {  	s3 =	rddreg [dreg:$0x2];
	[bflag:$0x3] =	sbarrier.arrive $0xFFFF;
	s2 =	simm.s32 @!p0 $0x1C02  }
0x11e: {  	[timem:s3], [sflag:s2] =	dma.local @!p0 [hbm:s0], s1  }
0x11f: {  	s0 =	simm.s32 @!p0 $0x2  }
0x120: {  	_ =	swait.ge @!p0 [sflag:s0], s1  }
0x121: {  	s1 =	ssub.s32 @!p0 $0x0, s1;
	[sflag:s0] =	ssyncset.done @!p0 $0x0  }
0x122: {  	[sflag:s0] =	ssyncadd.s32 @!p0 s1  }
0x123: {  	[bflag:$0x3] =	sbarrier.arrive $0xFFFF  }
0x124: {  	_ =	shalt  }

</sc_bundles>
